<compile_context>
chip_gen: v7x
topology: tpu7x:2x2x1
jax: 0.10.2.dev20260603
libtpu: 0.0.44.dev20260713+nightly
codegen_flags: <defaults>
</compile_context>

<pallas_src>
import functools

import jax
import jax.numpy as jnp
from jax import lax
from jax.experimental import pallas as pl
from jax.experimental.pallas import tpu as pltpu
from jax.experimental.pallas import tpu_sc as plsc

B, N, F, E = 4, 10000, 128, 320000

NC, NS, LANES = 2, 16, 16
NTILES = NC * NS
EDGES_PER_TILE = E // NTILES
K = 400
GROUPS = K // LANES
CHUNKS = EDGES_PER_TILE // K
ACC_W = 8
NPAD = 10240
ACC_LEN = ACC_W * NPAD


@functools.cache
def _make_sc_edge_scatter():
    sc_mesh = plsc.VectorSubcoreMesh(
        core_axis_name="c", subcore_axis_name="s", num_cores=NC, num_subcores=NS
    )
    return pl.kernel(
        _sc_edge_scatter_body,
        out_type=jax.ShapeDtypeStruct((NTILES * ACC_LEN,), jnp.float32),
        mesh=sc_mesh,
        compiler_params=pltpu.CompilerParams(
            use_tc_tiling_on_sc=False, needs_layout_passes=False),
        scratch_types=(
            [pltpu.VMEM((N,), jnp.float32)] * B
            + [pltpu.VMEM((NPAD,), jnp.float32)] * B
            + [pltpu.VMEM((NPAD,), jnp.float32)] * B
            + [
                pltpu.VMEM((K,), jnp.int32),
                pltpu.VMEM((K,), jnp.int32),
                pltpu.VMEM((B, K), jnp.float32),
                pltpu.VMEM((B, K), jnp.float32),
                pltpu.VMEM((B, K), jnp.float32),
                pltpu.SemaphoreType.DMA,
                pltpu.SemaphoreType.DMA,
            ]
        ),
    )


def _sc_edge_scatter_body(volt_hbm, src_hbm, dst_hbm, lf_hbm, tl_hbm, sus_hbm,
                          acc_hbm, v0, v1, v2, v3, f0, f1, f2, f3,
                          o0, o1, o2, o3, src_v, dst_v, lf_v, tl_v,
                          sus_v, sem_in, sem_v):
    core = lax.axis_index("c")
    sub = lax.axis_index("s")
    volt = [v0, v1, v2, v3]
    facc = [f0, f1, f2, f3]
    oacc = [o0, o1, o2, o3]

    cps_v = [pltpu.async_copy(volt_hbm.at[pl.ds(b * N, N)], volt[b], sem_v)
             for b in range(B)]

    z16 = jnp.zeros((LANES,), jnp.float32)
    one16 = jnp.full((LANES,), 1.0, jnp.float32)

    @plsc.parallel_loop(0, NPAD // LANES)
    def _(i):
        for b in range(B):
            facc[b][pl.ds(i * LANES, LANES)] = z16
            oacc[b][pl.ds(i * LANES, LANES)] = z16

    for cp in cps_v:
        cp.wait()

    ebase = (core * NS + sub) * EDGES_PER_TILE

    @pl.loop(0, CHUNKS)
    def _(c):
        e0 = ebase + c * K
        cps = [
            pltpu.async_copy(src_hbm.at[pl.ds(e0, K)], src_v, sem_in),
            pltpu.async_copy(dst_hbm.at[pl.ds(e0, K)], dst_v, sem_in),
        ]
        for b in range(B):
            cps.append(pltpu.async_copy(
                lf_hbm.at[pl.ds(b * E + e0, K)], lf_v.at[b], sem_in))
            cps.append(pltpu.async_copy(
                tl_hbm.at[pl.ds(b * E + e0, K)], tl_v.at[b], sem_in))
            cps.append(pltpu.async_copy(
                sus_hbm.at[pl.ds(b * E + e0, K)], sus_v.at[b], sem_in))
        for cp in cps:
            cp.wait()

        @plsc.parallel_loop(0, GROUPS, unroll=2)
        def _(g):
            s16 = src_v[pl.ds(g * LANES, LANES)]
            d16 = dst_v[pl.ds(g * LANES, LANES)]
            for b in range(B):
                vi = plsc.load_gather(volt[b], [s16])
                vj = plsc.load_gather(volt[b], [d16])
                sus16 = sus_v[b, pl.ds(g * LANES, LANES)]
                fij = sus16 * vj / (vi + 1e-6)
                plsc.addupdate_scatter(facc[b], [s16], fij)
                lf16 = lf_v[b, pl.ds(g * LANES, LANES)]
                tl16 = tl_v[b, pl.ds(g * LANES, LANES)]
                plsc.store_scatter(oacc[b], [s16], one16,
                                   mask=lf16 > tl16 + 1e-6)

    tile = core * NS + sub
    for b in range(B):
        pltpu.sync_copy(
            facc[b], acc_hbm.at[pl.ds(tile * ACC_LEN + b * NPAD, NPAD)])
        pltpu.sync_copy(
            oacc[b], acc_hbm.at[pl.ds(tile * ACC_LEN + (B + b) * NPAD, NPAD)])


BN = 2048


def _tc_body(acc_ref, n1_ref, li_ref):
    a = acc_ref[0, 0]
    for t in range(1, NTILES):
        a = a + acc_ref[0, t]
    for b in range(B):
        n1_ref[b, :] = (a[B + b] > 0.0).astype(jnp.float32)
        li_ref[b, :] = jnp.abs(1.0 - a[b])


_tc_finalize = pl.pallas_call(
    _tc_body,
    grid=(NPAD // BN,),
    in_specs=[
        pl.BlockSpec((1, NTILES, ACC_W, BN), lambda i: (0, 0, 0, i)),
    ],
    out_specs=[
        pl.BlockSpec((B, BN), lambda i: (0, i)),
        pl.BlockSpec((B, BN), lambda i: (0, i)),
    ],
    out_shape=[
        jax.ShapeDtypeStruct((B, N), jnp.float32),
        jax.ShapeDtypeStruct((B, N), jnp.float32),
    ],
)


def kernel(node_features, edge_index, line_flows, thermal_limits, susceptance):
    volt = node_features[:, :, 0].reshape(B * N)
    src = edge_index[0]
    dst = edge_index[1]
    lf1 = line_flows[:, :, 0].reshape(B * E)
    tl1 = thermal_limits[:, :, 0].reshape(B * E)
    sus1 = susceptance[:, :, 0].reshape(B * E)
    acc = _make_sc_edge_scatter()(volt, src, dst, lf1, tl1, sus1)
    n1, li = _tc_finalize(acc.reshape(1, NTILES, ACC_W, NPAD))
    return jnp.concatenate(
        [node_features, n1[:, :, None], li[:, :, None]], axis=2)

# --- scband reference (transcript-rebuilt; emitter-appended) ---
"""Pipeline reference for scband-physics-informed-feature-extractor-13297218748849 (READ-ONLY COPY).

The authoritative reference and input builder live on the scoring server;
editing this copy changes nothing except your own understanding.
"""

import jax, jax.numpy as jnp
import numpy as np

B, N, F, E = 4, 10000, 128, 320000


def setup_inputs(seed: int = 0) -> dict:
    key = jax.random.key(seed)
    k1, k2, k3, k4, k5 = jax.random.split(key, 5)
    node_features = jax.random.uniform(k1, (B, N, F), dtype=jnp.float32)
    edge_index = jax.random.randint(k2, (2, E), 0, N, dtype=jnp.int32)
    line_flows = jax.random.uniform(k3, (B, E, 1), dtype=jnp.float32)
    thermal_limits = jax.random.uniform(k4, (B, E, 1), dtype=jnp.float32)
    susceptance = jax.random.uniform(k5, (B, E, 1), dtype=jnp.float32)
    return {
        'node_features': node_features,
        'edge_index': edge_index,
        'line_flows': line_flows,
        'thermal_limits': thermal_limits,
        'susceptance': susceptance,
    }


def reference(node_features, edge_index, line_flows, thermal_limits, susceptance):
    src = edge_index[0]
    dst = edge_index[1]
    Bn, Nn, _ = node_features.shape
    voltages = node_features[:, :, 0:1]

    # ---- N-1 contingency violations (per-src-node max loading ratio) ----
    loading = (line_flows / (thermal_limits + 1e-06))[..., 0]  # [B, E]
    seg_max = jax.vmap(lambda l: jax.ops.segment_max(l, src, num_segments=Nn))(loading)
    # torch loop initializes with zeros, so clamp empty/negative segments to 0
    max_loading = jnp.maximum(seg_max, 0.0)[..., None]  # [B, N, 1]
    n1_violations = (max_loading > 1.0).astype(jnp.float32)

    # ---- Voltage stability index L_i ----
    V_i = voltages[:, src, :]  # [B, E, 1]
    V_j = voltages[:, dst, :]  # [B, E, 1]
    F_ij = susceptance * V_j / (V_i + 1e-06)  # [B, E, 1]
    seg_sum = jax.vmap(lambda f: jax.ops.segment_sum(f, src, num_segments=Nn))(F_ij[..., 0])
    L_i = jnp.abs(1.0 - seg_sum)[..., None]  # [B, N, 1]

    augmented = jnp.concatenate([node_features, n1_violations, L_i], axis=-1)
    return augmented

if __name__ == "__main__":
    import jax
    _d = setup_inputs()
    print(jax.jit(kernel)(*tuple(_d.values())))

</pallas_src>

<mosaic_0001>
#map = affine_map<(d0, d1) -> (0)>
module attributes {stable_mosaic.version = 14 : i64} {
  func.func @_sc_edge_scatter_body(%arg0: i32, %arg1: i32, %arg2: memref<40000xf32, #tpu.memory_space<hbm>>, %arg3: memref<320000xi32, #tpu.memory_space<hbm>>, %arg4: memref<320000xi32, #tpu.memory_space<hbm>>, %arg5: memref<1280000xf32, #tpu.memory_space<hbm>>, %arg6: memref<1280000xf32, #tpu.memory_space<hbm>>, %arg7: memref<1280000xf32, #tpu.memory_space<hbm>>, %arg8: memref<2621440xf32, #tpu.memory_space<hbm>>, %arg9: memref<10000xf32, #tpu.memory_space<vmem>>, %arg10: memref<10000xf32, #tpu.memory_space<vmem>>, %arg11: memref<10000xf32, #tpu.memory_space<vmem>>, %arg12: memref<10000xf32, #tpu.memory_space<vmem>>, %arg13: memref<10240xf32, #tpu.memory_space<vmem>>, %arg14: memref<10240xf32, #tpu.memory_space<vmem>>, %arg15: memref<10240xf32, #tpu.memory_space<vmem>>, %arg16: memref<10240xf32, #tpu.memory_space<vmem>>, %arg17: memref<10240xf32, #tpu.memory_space<vmem>>, %arg18: memref<10240xf32, #tpu.memory_space<vmem>>, %arg19: memref<10240xf32, #tpu.memory_space<vmem>>, %arg20: memref<10240xf32, #tpu.memory_space<vmem>>, %arg21: memref<400xi32, #tpu.memory_space<vmem>>, %arg22: memref<400xi32, #tpu.memory_space<vmem>>, %arg23: memref<4x400xf32, #tpu.memory_space<vmem>>, %arg24: memref<4x400xf32, #tpu.memory_space<vmem>>, %arg25: memref<4x400xf32, #tpu.memory_space<vmem>>, %arg26: memref<!tpu.dma_semaphore, #tpu.memory_space<semaphore_mem>>, %arg27: memref<!tpu.dma_semaphore, #tpu.memory_space<semaphore_mem>>) attributes {dimension_semantics = [#tpu.dimension_semantics<core_parallel>, #tpu.dimension_semantics<subcore_parallel>], iteration_bounds = array<i64: 2, 16>, scalar_prefetch = 0 : i64, scratch_operands = 19 : i64, tpu.core_type = #tpu.core_type<sc_vector_subcore>, window_params = [{transform_indices = #map}, {transform_indices = #map}, {transform_indices = #map}, {transform_indices = #map}, {transform_indices = #map}, {transform_indices = #map}, {transform_indices = #map}]} {
    %dma_start3A = arith.constant 0 : i32
    %dma_start3A_0 = tpu.memref_slice %arg2[%dma_start3A] : memref<40000xf32, #tpu.memory_space<hbm>> -> memref<10000xf32, #tpu.memory_space<hbm>>
    %dma_start3A_1 = arith.constant 0 : i32
    %dma_start3A_2 = tpu.memref_slice %arg2[%dma_start3A_1] : memref<40000xf32, #tpu.memory_space<hbm>> -> memref<10000xf32, #tpu.memory_space<hbm>>
    tpu.enqueue_dma source(%dma_start3A_2 : memref<10000xf32, #tpu.memory_space<hbm>>) target(%arg9 : memref<10000xf32, #tpu.memory_space<vmem>>) target_semaphore(%arg27 : memref<!tpu.dma_semaphore, #tpu.memory_space<semaphore_mem>>)
    %dma_start3A_3 = arith.constant 10000 : i32
    %dma_start3A_4 = tpu.memref_slice %arg2[%dma_start3A_3] : memref<40000xf32, #tpu.memory_space<hbm>> -> memref<10000xf32, #tpu.memory_space<hbm>>
    %dma_start3A_5 = arith.constant 10000 : i32
    %dma_start3A_6 = tpu.memref_slice %arg2[%dma_start3A_5] : memref<40000xf32, #tpu.memory_space<hbm>> -> memref<10000xf32, #tpu.memory_space<hbm>>
    tpu.enqueue_dma source(%dma_start3A_6 : memref<10000xf32, #tpu.memory_space<hbm>>) target(%arg10 : memref<10000xf32, #tpu.memory_space<vmem>>) target_semaphore(%arg27 : memref<!tpu.dma_semaphore, #tpu.memory_space<semaphore_mem>>)
    %dma_start3A_7 = arith.constant 20000 : i32
    %dma_start3A_8 = tpu.memref_slice %arg2[%dma_start3A_7] : memref<40000xf32, #tpu.memory_space<hbm>> -> memref<10000xf32, #tpu.memory_space<hbm>>
    %dma_start3A_9 = arith.constant 20000 : i32
    %dma_start3A_10 = tpu.memref_slice %arg2[%dma_start3A_9] : memref<40000xf32, #tpu.memory_space<hbm>> -> memref<10000xf32, #tpu.memory_space<hbm>>
    tpu.enqueue_dma source(%dma_start3A_10 : memref<10000xf32, #tpu.memory_space<hbm>>) target(%arg11 : memref<10000xf32, #tpu.memory_space<vmem>>) target_semaphore(%arg27 : memref<!tpu.dma_semaphore, #tpu.memory_space<semaphore_mem>>)
    %dma_start3A_11 = arith.constant 30000 : i32
    %dma_start3A_12 = tpu.memref_slice %arg2[%dma_start3A_11] : memref<40000xf32, #tpu.memory_space<hbm>> -> memref<10000xf32, #tpu.memory_space<hbm>>
    %dma_start3A_13 = arith.constant 30000 : i32
    %dma_start3A_14 = tpu.memref_slice %arg2[%dma_start3A_13] : memref<40000xf32, #tpu.memory_space<hbm>> -> memref<10000xf32, #tpu.memory_space<hbm>>
    tpu.enqueue_dma source(%dma_start3A_14 : memref<10000xf32, #tpu.memory_space<hbm>>) target(%arg12 : memref<10000xf32, #tpu.memory_space<vmem>>) target_semaphore(%arg27 : memref<!tpu.dma_semaphore, #tpu.memory_space<semaphore_mem>>)
    %broadcast_in_dim3A = arith.constant 0.000000e+00 : f32
    %broadcast_in_dim3A_15 = vector.broadcast %broadcast_in_dim3A : f32 to vector<16xf32>
    %broadcast_in_dim3A_16 = arith.constant 1.000000e+00 : f32
    %broadcast_in_dim3A_17 = vector.broadcast %broadcast_in_dim3A_16 : f32 to vector<16xf32>
    %parallel_loop3A = arith.constant 0 : i32
    %parallel_loop3A_18 = arith.constant 640 : i32
    %parallel_loop3A_19 = arith.constant 1 : i32
    scf.for %parallel_loop3A_77 = %parallel_loop3A to %parallel_loop3A_18 step %parallel_loop3A_19  : i32 {
      %parallel_loop3A_78 = arith.constant 16 : i32
      %parallel_loop3A_79 = arith.muli %parallel_loop3A_77, %parallel_loop3A_78 : i32
      %parallel_loop3A_80 = arith.index_cast %parallel_loop3A_79 : i32 to index
      %parallel_loop3A_81 = tpu.vector_load %arg13[%parallel_loop3A_80] {strides = array<i32>} : memref<10240xf32, #tpu.memory_space<vmem>>, vector<16xf32>,
      tpu.vector_store %arg13[%parallel_loop3A_80], %broadcast_in_dim3A_15 {strides = array<i32>} : memref<10240xf32, #tpu.memory_space<vmem>>, vector<16xf32>,
      %parallel_loop3A_82 = arith.constant 16 : i32
      %parallel_loop3A_83 = arith.muli %parallel_loop3A_77, %parallel_loop3A_82 : i32
      %parallel_loop3A_84 = arith.index_cast %parallel_loop3A_83 : i32 to index
      %parallel_loop3A_85 = tpu.vector_load %arg17[%parallel_loop3A_84] {strides = array<i32>} : memref<10240xf32, #tpu.memory_space<vmem>>, vector<16xf32>,
      tpu.vector_store %arg17[%parallel_loop3A_84], %broadcast_in_dim3A_15 {strides = array<i32>} : memref<10240xf32, #tpu.memory_space<vmem>>, vector<16xf32>,
      %parallel_loop3A_86 = arith.constant 16 : i32
      %parallel_loop3A_87 = arith.muli %parallel_loop3A_77, %parallel_loop3A_86 : i32
      %parallel_loop3A_88 = arith.index_cast %parallel_loop3A_87 : i32 to index
      %parallel_loop3A_89 = tpu.vector_load %arg14[%parallel_loop3A_88] {strides = array<i32>} : memref<10240xf32, #tpu.memory_space<vmem>>, vector<16xf32>,
      tpu.vector_store %arg14[%parallel_loop3A_88], %broadcast_in_dim3A_15 {strides = array<i32>} : memref<10240xf32, #tpu.memory_space<vmem>>, vector<16xf32>,
      %parallel_loop3A_90 = arith.constant 16 : i32
      %parallel_loop3A_91 = arith.muli %parallel_loop3A_77, %parallel_loop3A_90 : i32
      %parallel_loop3A_92 = arith.index_cast %parallel_loop3A_91 : i32 to index
      %parallel_loop3A_93 = tpu.vector_load %arg18[%parallel_loop3A_92] {strides = array<i32>} : memref<10240xf32, #tpu.memory_space<vmem>>, vector<16xf32>,
      tpu.vector_store %arg18[%parallel_loop3A_92], %broadcast_in_dim3A_15 {strides = array<i32>} : memref<10240xf32, #tpu.memory_space<vmem>>, vector<16xf32>,
      %parallel_loop3A_94 = arith.constant 16 : i32
      %parallel_loop3A_95 = arith.muli %parallel_loop3A_77, %parallel_loop3A_94 : i32
      %parallel_loop3A_96 = arith.index_cast %parallel_loop3A_95 : i32 to index
      %parallel_loop3A_97 = tpu.vector_load %arg15[%parallel_loop3A_96] {strides = array<i32>} : memref<10240xf32, #tpu.memory_space<vmem>>, vector<16xf32>,
      tpu.vector_store %arg15[%parallel_loop3A_96], %broadcast_in_dim3A_15 {strides = array<i32>} : memref<10240xf32, #tpu.memory_space<vmem>>, vector<16xf32>,
      %parallel_loop3A_98 = arith.constant 16 : i32
      %parallel_loop3A_99 = arith.muli %parallel_loop3A_77, %parallel_loop3A_98 : i32
      %parallel_loop3A_100 = arith.index_cast %parallel_loop3A_99 : i32 to index
      %parallel_loop3A_101 = tpu.vector_load %arg19[%parallel_loop3A_100] {strides = array<i32>} : memref<10240xf32, #tpu.memory_space<vmem>>, vector<16xf32>,
      tpu.vector_store %arg19[%parallel_loop3A_100], %broadcast_in_dim3A_15 {strides = array<i32>} : memref<10240xf32, #tpu.memory_space<vmem>>, vector<16xf32>,
      %parallel_loop3A_102 = arith.constant 16 : i32
      %parallel_loop3A_103 = arith.muli %parallel_loop3A_77, %parallel_loop3A_102 : i32
      %parallel_loop3A_104 = arith.index_cast %parallel_loop3A_103 : i32 to index
      %parallel_loop3A_105 = tpu.vector_load %arg16[%parallel_loop3A_104] {strides = array<i32>} : memref<10240xf32, #tpu.memory_space<vmem>>, vector<16xf32>,
      tpu.vector_store %arg16[%parallel_loop3A_104], %broadcast_in_dim3A_15 {strides = array<i32>} : memref<10240xf32, #tpu.memory_space<vmem>>, vector<16xf32>,
      %parallel_loop3A_106 = arith.constant 16 : i32
      %parallel_loop3A_107 = arith.muli %parallel_loop3A_77, %parallel_loop3A_106 : i32
      %parallel_loop3A_108 = arith.index_cast %parallel_loop3A_107 : i32 to index
      %parallel_loop3A_109 = tpu.vector_load %arg20[%parallel_loop3A_108] {strides = array<i32>} : memref<10240xf32, #tpu.memory_space<vmem>>, vector<16xf32>,
      tpu.vector_store %arg20[%parallel_loop3A_108], %broadcast_in_dim3A_15 {strides = array<i32>} : memref<10240xf32, #tpu.memory_space<vmem>>, vector<16xf32>,
    } {sc.loop_unroll_factor = 1 : i64, sc.parallel_access}
    %dma_wait3A = arith.constant 0 : i32
    %dma_wait3A_20 = tpu.memref_slice %arg2[%dma_wait3A] : memref<40000xf32, #tpu.memory_space<hbm>> -> memref<10000xf32, #tpu.memory_space<hbm>>
    %dma_wait3A_21 = arith.constant 0 : i32
    %dma_wait3A_22 = tpu.memref_slice %arg2[%dma_wait3A_21] : memref<40000xf32, #tpu.memory_space<hbm>> -> memref<10000xf32, #tpu.memory_space<hbm>>
    tpu.wait_dma2 semaphore(%arg27 : memref<!tpu.dma_semaphore, #tpu.memory_space<semaphore_mem>>) src(%dma_wait3A_22 : memref<10000xf32, #tpu.memory_space<hbm>>) dst(%arg9 : memref<10000xf32, #tpu.memory_space<vmem>>)
    %dma_wait3A_23 = arith.constant 10000 : i32
    %dma_wait3A_24 = tpu.memref_slice %arg2[%dma_wait3A_23] : memref<40000xf32, #tpu.memory_space<hbm>> -> memref<10000xf32, #tpu.memory_space<hbm>>
    %dma_wait3A_25 = arith.constant 10000 : i32
    %dma_wait3A_26 = tpu.memref_slice %arg2[%dma_wait3A_25] : memref<40000xf32, #tpu.memory_space<hbm>> -> memref<10000xf32, #tpu.memory_space<hbm>>
    tpu.wait_dma2 semaphore(%arg27 : memref<!tpu.dma_semaphore, #tpu.memory_space<semaphore_mem>>) src(%dma_wait3A_26 : memref<10000xf32, #tpu.memory_space<hbm>>) dst(%arg10 : memref<10000xf32, #tpu.memory_space<vmem>>)
    %dma_wait3A_27 = arith.constant 20000 : i32
    %dma_wait3A_28 = tpu.memref_slice %arg2[%dma_wait3A_27] : memref<40000xf32, #tpu.memory_space<hbm>> -> memref<10000xf32, #tpu.memory_space<hbm>>
    %dma_wait3A_29 = arith.constant 20000 : i32
    %dma_wait3A_30 = tpu.memref_slice %arg2[%dma_wait3A_29] : memref<40000xf32, #tpu.memory_space<hbm>> -> memref<10000xf32, #tpu.memory_space<hbm>>
    tpu.wait_dma2 semaphore(%arg27 : memref<!tpu.dma_semaphore, #tpu.memory_space<semaphore_mem>>) src(%dma_wait3A_30 : memref<10000xf32, #tpu.memory_space<hbm>>) dst(%arg11 : memref<10000xf32, #tpu.memory_space<vmem>>)
    %dma_wait3A_31 = arith.constant 30000 : i32
    %dma_wait3A_32 = tpu.memref_slice %arg2[%dma_wait3A_31] : memref<40000xf32, #tpu.memory_space<hbm>> -> memref<10000xf32, #tpu.memory_space<hbm>>
    %dma_wait3A_33 = arith.constant 30000 : i32
    %dma_wait3A_34 = tpu.memref_slice %arg2[%dma_wait3A_33] : memref<40000xf32, #tpu.memory_space<hbm>> -> memref<10000xf32, #tpu.memory_space<hbm>>
    tpu.wait_dma2 semaphore(%arg27 : memref<!tpu.dma_semaphore, #tpu.memory_space<semaphore_mem>>) src(%dma_wait3A_34 : memref<10000xf32, #tpu.memory_space<hbm>>) dst(%arg12 : memref<10000xf32, #tpu.memory_space<vmem>>)
    %mul3A = arith.constant 16 : i32
    %mul3A_35 = arith.muli %arg0, %mul3A : i32
    %add3A = arith.addi %mul3A_35, %arg1 : i32
    %mul3A_36 = arith.constant 10000 : i32
    %mul3A_37 = arith.muli %add3A, %mul3A_36 : i32
    %scan3A = arith.constant 0 : i32
    %scan3A_38 = arith.constant 25 : i32
    %scan3A_39 = arith.addi %scan3A, %scan3A_38 : i32
    %scan3A_40 = arith.constant 1 : i32
    scf.for %scan3A_77 = %scan3A to %scan3A_39 step %scan3A_40  : i32 {
      %mul3A_78 = arith.constant 1 : i32
      %mul3A_79 = arith.muli %scan3A_77, %mul3A_78 : i32
      %add3A_80 = arith.constant 0 : i32
      %add3A_81 = arith.addi %add3A_80, %mul3A_79 : i32
      %mul3A_82 = arith.constant 400 : i32
      %mul3A_83 = arith.muli %add3A_81, %mul3A_82 : i32
      %add3A_84 = arith.addi %mul3A_37, %mul3A_83 : i32
      %dma_start3A_85 = tpu.memref_slice %arg3[%add3A_84] : memref<320000xi32, #tpu.memory_space<hbm>> -> memref<400xi32, #tpu.memory_space<hbm>>
      %dma_start3A_86 = tpu.memref_slice %arg3[%add3A_84] : memref<320000xi32, #tpu.memory_space<hbm>> -> memref<400xi32, #tpu.memory_space<hbm>>
      tpu.enqueue_dma source(%dma_start3A_86 : memref<400xi32, #tpu.memory_space<hbm>>) target(%arg21 : memref<400xi32, #tpu.memory_space<vmem>>) target_semaphore(%arg26 : memref<!tpu.dma_semaphore, #tpu.memory_space<semaphore_mem>>)
      %dma_start3A_87 = tpu.memref_slice %arg4[%add3A_84] : memref<320000xi32, #tpu.memory_space<hbm>> -> memref<400xi32, #tpu.memory_space<hbm>>
      %dma_start3A_88 = tpu.memref_slice %arg4[%add3A_84] : memref<320000xi32, #tpu.memory_space<hbm>> -> memref<400xi32, #tpu.memory_space<hbm>>
      tpu.enqueue_dma source(%dma_start3A_88 : memref<400xi32, #tpu.memory_space<hbm>>) target(%arg22 : memref<400xi32, #tpu.memory_space<vmem>>) target_semaphore(%arg26 : memref<!tpu.dma_semaphore, #tpu.memory_space<semaphore_mem>>)
      %add3A_89 = arith.constant 0 : i32
      %add3A_90 = arith.addi %add3A_89, %add3A_84 : i32
      %dma_start3A_91 = arith.constant 0 : i32
      %dma_start3A_92 = arith.constant 0 : i32
      %dma_start3A_93 = tpu.memref_slice %arg23[%dma_start3A_91, %dma_start3A_92] : memref<4x400xf32, #tpu.memory_space<vmem>> -> memref<1x400xf32, #tpu.memory_space<vmem>>
      %dma_start3A_94 = tpu.memref_squeeze %dma_start3A_93 : memref<1x400xf32, #tpu.memory_space<vmem>> -> memref<400xf32, #tpu.memory_space<vmem>>
      %dma_start3A_95 = tpu.memref_slice %arg5[%add3A_90] : memref<1280000xf32, #tpu.memory_space<hbm>> -> memref<400xf32, #tpu.memory_space<hbm>>
      %dma_start3A_96 = arith.constant 0 : i32
      %dma_start3A_97 = tpu.memref_slice %arg23[%dma_start3A_91, %dma_start3A_96] : memref<4x400xf32, #tpu.memory_space<vmem>> -> memref<1x400xf32, #tpu.memory_space<vmem>>
      %dma_start3A_98 = tpu.memref_squeeze %dma_start3A_97 : memref<1x400xf32, #tpu.memory_space<vmem>> -> memref<400xf32, #tpu.memory_space<vmem>>
      %dma_start3A_99 = tpu.memref_slice %arg5[%add3A_90] : memref<1280000xf32, #tpu.memory_space<hbm>> -> memref<400xf32, #tpu.memory_space<hbm>>
      tpu.enqueue_dma source(%dma_start3A_99 : memref<400xf32, #tpu.memory_space<hbm>>) target(%dma_start3A_98 : memref<400xf32, #tpu.memory_space<vmem>>) target_semaphore(%arg26 : memref<!tpu.dma_semaphore, #tpu.memory_space<semaphore_mem>>)
      %add3A_100 = arith.constant 0 : i32
      %add3A_101 = arith.addi %add3A_100, %add3A_84 : i32
      %dma_start3A_102 = arith.constant 0 : i32
      %dma_start3A_103 = arith.constant 0 : i32
      %dma_start3A_104 = tpu.memref_slice %arg24[%dma_start3A_102, %dma_start3A_103] : memref<4x400xf32, #tpu.memory_space<vmem>> -> memref<1x400xf32, #tpu.memory_space<vmem>>
      %dma_start3A_105 = tpu.memref_squeeze %dma_start3A_104 : memref<1x400xf32, #tpu.memory_space<vmem>> -> memref<400xf32, #tpu.memory_space<vmem>>
      %dma_start3A_106 = tpu.memref_slice %arg6[%add3A_101] : memref<1280000xf32, #tpu.memory_space<hbm>> -> memref<400xf32, #tpu.memory_space<hbm>>
      %dma_start3A_107 = arith.constant 0 : i32
      %dma_start3A_108 = tpu.memref_slice %arg24[%dma_start3A_102, %dma_start3A_107] : memref<4x400xf32, #tpu.memory_space<vmem>> -> memref<1x400xf32, #tpu.memory_space<vmem>>
      %dma_start3A_109 = tpu.memref_squeeze %dma_start3A_108 : memref<1x400xf32, #tpu.memory_space<vmem>> -> memref<400xf32, #tpu.memory_space<vmem>>
      %dma_start3A_110 = tpu.memref_slice %arg6[%add3A_101] : memref<1280000xf32, #tpu.memory_space<hbm>> -> memref<400xf32, #tpu.memory_space<hbm>>
      tpu.enqueue_dma source(%dma_start3A_110 : memref<400xf32, #tpu.memory_space<hbm>>) target(%dma_start3A_109 : memref<400xf32, #tpu.memory_space<vmem>>) target_semaphore(%arg26 : memref<!tpu.dma_semaphore, #tpu.memory_space<semaphore_mem>>)
      %add3A_111 = arith.constant 0 : i32
      %add3A_112 = arith.addi %add3A_111, %add3A_84 : i32
      %dma_start3A_113 = arith.constant 0 : i32
      %dma_start3A_114 = arith.constant 0 : i32
      %dma_start3A_115 = tpu.memref_slice %arg25[%dma_start3A_113, %dma_start3A_114] : memref<4x400xf32, #tpu.memory_space<vmem>> -> memref<1x400xf32, #tpu.memory_space<vmem>>
      %dma_start3A_116 = tpu.memref_squeeze %dma_start3A_115 : memref<1x400xf32, #tpu.memory_space<vmem>> -> memref<400xf32, #tpu.memory_space<vmem>>
      %dma_start3A_117 = tpu.memref_slice %arg7[%add3A_112] : memref<1280000xf32, #tpu.memory_space<hbm>> -> memref<400xf32, #tpu.memory_space<hbm>>
      %dma_start3A_118 = arith.constant 0 : i32
      %dma_start3A_119 = tpu.memref_slice %arg25[%dma_start3A_113, %dma_start3A_118] : memref<4x400xf32, #tpu.memory_space<vmem>> -> memref<1x400xf32, #tpu.memory_space<vmem>>
      %dma_start3A_120 = tpu.memref_squeeze %dma_start3A_119 : memref<1x400xf32, #tpu.memory_space<vmem>> -> memref<400xf32, #tpu.memory_space<vmem>>
      %dma_start3A_121 = tpu.memref_slice %arg7[%add3A_112] : memref<1280000xf32, #tpu.memory_space<hbm>> -> memref<400xf32, #tpu.memory_space<hbm>>
      tpu.enqueue_dma source(%dma_start3A_121 : memref<400xf32, #tpu.memory_space<hbm>>) target(%dma_start3A_120 : memref<400xf32, #tpu.memory_space<vmem>>) target_semaphore(%arg26 : memref<!tpu.dma_semaphore, #tpu.memory_space<semaphore_mem>>)
      %add3A_122 = arith.constant 320000 : i32
      %add3A_123 = arith.addi %add3A_122, %add3A_84 : i32
      %dma_start3A_124 = arith.constant 1 : i32
      %dma_start3A_125 = arith.constant 0 : i32
      %dma_start3A_126 = tpu.memref_slice %arg23[%dma_start3A_124, %dma_start3A_125] : memref<4x400xf32, #tpu.memory_space<vmem>> -> memref<1x400xf32, #tpu.memory_space<vmem>>
      %dma_start3A_127 = tpu.memref_squeeze %dma_start3A_126 : memref<1x400xf32, #tpu.memory_space<vmem>> -> memref<400xf32, #tpu.memory_space<vmem>>
      %dma_start3A_128 = tpu.memref_slice %arg5[%add3A_123] : memref<1280000xf32, #tpu.memory_space<hbm>> -> memref<400xf32, #tpu.memory_space<hbm>>
      %dma_start3A_129 = arith.constant 0 : i32
      %dma_start3A_130 = tpu.memref_slice %arg23[%dma_start3A_124, %dma_start3A_129] : memref<4x400xf32, #tpu.memory_space<vmem>> -> memref<1x400xf32, #tpu.memory_space<vmem>>
      %dma_start3A_131 = tpu.memref_squeeze %dma_start3A_130 : memref<1x400xf32, #tpu.memory_space<vmem>> -> memref<400xf32, #tpu.memory_space<vmem>>
      %dma_start3A_132 = tpu.memref_slice %arg5[%add3A_123] : memref<1280000xf32, #tpu.memory_space<hbm>> -> memref<400xf32, #tpu.memory_space<hbm>>
      tpu.enqueue_dma source(%dma_start3A_132 : memref<400xf32, #tpu.memory_space<hbm>>) target(%dma_start3A_131 : memref<400xf32, #tpu.memory_space<vmem>>) target_semaphore(%arg26 : memref<!tpu.dma_semaphore, #tpu.memory_space<semaphore_mem>>)
      %add3A_133 = arith.constant 320000 : i32
      %add3A_134 = arith.addi %add3A_133, %add3A_84 : i32
      %dma_start3A_135 = arith.constant 1 : i32
      %dma_start3A_136 = arith.constant 0 : i32
      %dma_start3A_137 = tpu.memref_slice %arg24[%dma_start3A_135, %dma_start3A_136] : memref<4x400xf32, #tpu.memory_space<vmem>> -> memref<1x400xf32, #tpu.memory_space<vmem>>
      %dma_start3A_138 = tpu.memref_squeeze %dma_start3A_137 : memref<1x400xf32, #tpu.memory_space<vmem>> -> memref<400xf32, #tpu.memory_space<vmem>>
      %dma_start3A_139 = tpu.memref_slice %arg6[%add3A_134] : memref<1280000xf32, #tpu.memory_space<hbm>> -> memref<400xf32, #tpu.memory_space<hbm>>
      %dma_start3A_140 = arith.constant 0 : i32
      %dma_start3A_141 = tpu.memref_slice %arg24[%dma_start3A_135, %dma_start3A_140] : memref<4x400xf32, #tpu.memory_space<vmem>> -> memref<1x400xf32, #tpu.memory_space<vmem>>
      %dma_start3A_142 = tpu.memref_squeeze %dma_start3A_141 : memref<1x400xf32, #tpu.memory_space<vmem>> -> memref<400xf32, #tpu.memory_space<vmem>>
      %dma_start3A_143 = tpu.memref_slice %arg6[%add3A_134] : memref<1280000xf32, #tpu.memory_space<hbm>> -> memref<400xf32, #tpu.memory_space<hbm>>
      tpu.enqueue_dma source(%dma_start3A_143 : memref<400xf32, #tpu.memory_space<hbm>>) target(%dma_start3A_142 : memref<400xf32, #tpu.memory_space<vmem>>) target_semaphore(%arg26 : memref<!tpu.dma_semaphore, #tpu.memory_space<semaphore_mem>>)
      %add3A_144 = arith.constant 320000 : i32
      %add3A_145 = arith.addi %add3A_144, %add3A_84 : i32
      %dma_start3A_146 = arith.constant 1 : i32
      %dma_start3A_147 = arith.constant 0 : i32
      %dma_start3A_148 = tpu.memref_slice %arg25[%dma_start3A_146, %dma_start3A_147] : memref<4x400xf32, #tpu.memory_space<vmem>> -> memref<1x400xf32, #tpu.memory_space<vmem>>
      %dma_start3A_149 = tpu.memref_squeeze %dma_start3A_148 : memref<1x400xf32, #tpu.memory_space<vmem>> -> memref<400xf32, #tpu.memory_space<vmem>>
      %dma_start3A_150 = tpu.memref_slice %arg7[%add3A_145] : memref<1280000xf32, #tpu.memory_space<hbm>> -> memref<400xf32, #tpu.memory_space<hbm>>
      %dma_start3A_151 = arith.constant 0 : i32
      %dma_start3A_152 = tpu.memref_slice %arg25[%dma_start3A_146, %dma_start3A_151] : memref<4x400xf32, #tpu.memory_space<vmem>> -> memref<1x400xf32, #tpu.memory_space<vmem>>
      %dma_start3A_153 = tpu.memref_squeeze %dma_start3A_152 : memref<1x400xf32, #tpu.memory_space<vmem>> -> memref<400xf32, #tpu.memory_space<vmem>>
      %dma_start3A_154 = tpu.memref_slice %arg7[%add3A_145] : memref<1280000xf32, #tpu.memory_space<hbm>> -> memref<400xf32, #tpu.memory_space<hbm>>
      tpu.enqueue_dma source(%dma_start3A_154 : memref<400xf32, #tpu.memory_space<hbm>>) target(%dma_start3A_153 : memref<400xf32, #tpu.memory_space<vmem>>) target_semaphore(%arg26 : memref<!tpu.dma_semaphore, #tpu.memory_space<semaphore_mem>>)
      %add3A_155 = arith.constant 640000 : i32
      %add3A_156 = arith.addi %add3A_155, %add3A_84 : i32
      %dma_start3A_157 = arith.constant 2 : i32
      %dma_start3A_158 = arith.constant 0 : i32
      %dma_start3A_159 = tpu.memref_slice %arg23[%dma_start3A_157, %dma_start3A_158] : memref<4x400xf32, #tpu.memory_space<vmem>> -> memref<1x400xf32, #tpu.memory_space<vmem>>
      %dma_start3A_160 = tpu.memref_squeeze %dma_start3A_159 : memref<1x400xf32, #tpu.memory_space<vmem>> -> memref<400xf32, #tpu.memory_space<vmem>>
      %dma_start3A_161 = tpu.memref_slice %arg5[%add3A_156] : memref<1280000xf32, #tpu.memory_space<hbm>> -> memref<400xf32, #tpu.memory_space<hbm>>
      %dma_start3A_162 = arith.constant 0 : i32
      %dma_start3A_163 = tpu.memref_slice %arg23[%dma_start3A_157, %dma_start3A_162] : memref<4x400xf32, #tpu.memory_space<vmem>> -> memref<1x400xf32, #tpu.memory_space<vmem>>
      %dma_start3A_164 = tpu.memref_squeeze %dma_start3A_163 : memref<1x400xf32, #tpu.memory_space<vmem>> -> memref<400xf32, #tpu.memory_space<vmem>>
      %dma_start3A_165 = tpu.memref_slice %arg5[%add3A_156] : memref<1280000xf32, #tpu.memory_space<hbm>> -> memref<400xf32, #tpu.memory_space<hbm>>
      tpu.enqueue_dma source(%dma_start3A_165 : memref<400xf32, #tpu.memory_space<hbm>>) target(%dma_start3A_164 : memref<400xf32, #tpu.memory_space<vmem>>) target_semaphore(%arg26 : memref<!tpu.dma_semaphore, #tpu.memory_space<semaphore_mem>>)
      %add3A_166 = arith.constant 640000 : i32
      %add3A_167 = arith.addi %add3A_166, %add3A_84 : i32
      %dma_start3A_168 = arith.constant 2 : i32
      %dma_start3A_169 = arith.constant 0 : i32
      %dma_start3A_170 = tpu.memref_slice %arg24[%dma_start3A_168, %dma_start3A_169] : memref<4x400xf32, #tpu.memory_space<vmem>> -> memref<1x400xf32, #tpu.memory_space<vmem>>
      %dma_start3A_171 = tpu.memref_squeeze %dma_start3A_170 : memref<1x400xf32, #tpu.memory_space<vmem>> -> memref<400xf32, #tpu.memory_space<vmem>>
      %dma_start3A_172 = tpu.memref_slice %arg6[%add3A_167] : memref<1280000xf32, #tpu.memory_space<hbm>> -> memref<400xf32, #tpu.memory_space<hbm>>
      %dma_start3A_173 = arith.constant 0 : i32
      %dma_start3A_174 = tpu.memref_slice %arg24[%dma_start3A_168, %dma_start3A_173] : memref<4x400xf32, #tpu.memory_space<vmem>> -> memref<1x400xf32, #tpu.memory_space<vmem>>
      %dma_start3A_175 = tpu.memref_squeeze %dma_start3A_174 : memref<1x400xf32, #tpu.memory_space<vmem>> -> memref<400xf32, #tpu.memory_space<vmem>>
      %dma_start3A_176 = tpu.memref_slice %arg6[%add3A_167] : memref<1280000xf32, #tpu.memory_space<hbm>> -> memref<400xf32, #tpu.memory_space<hbm>>
      tpu.enqueue_dma source(%dma_start3A_176 : memref<400xf32, #tpu.memory_space<hbm>>) target(%dma_start3A_175 : memref<400xf32, #tpu.memory_space<vmem>>) target_semaphore(%arg26 : memref<!tpu.dma_semaphore, #tpu.memory_space<semaphore_mem>>)
      %add3A_177 = arith.constant 640000 : i32
      %add3A_178 = arith.addi %add3A_177, %add3A_84 : i32
      %dma_start3A_179 = arith.constant 2 : i32
      %dma_start3A_180 = arith.constant 0 : i32
      %dma_start3A_181 = tpu.memref_slice %arg25[%dma_start3A_179, %dma_start3A_180] : memref<4x400xf32, #tpu.memory_space<vmem>> -> memref<1x400xf32, #tpu.memory_space<vmem>>
      %dma_start3A_182 = tpu.memref_squeeze %dma_start3A_181 : memref<1x400xf32, #tpu.memory_space<vmem>> -> memref<400xf32, #tpu.memory_space<vmem>>
      %dma_start3A_183 = tpu.memref_slice %arg7[%add3A_178] : memref<1280000xf32, #tpu.memory_space<hbm>> -> memref<400xf32, #tpu.memory_space<hbm>>
      %dma_start3A_184 = arith.constant 0 : i32
      %dma_start3A_185 = tpu.memref_slice %arg25[%dma_start3A_179, %dma_start3A_184] : memref<4x400xf32, #tpu.memory_space<vmem>> -> memref<1x400xf32, #tpu.memory_space<vmem>>
      %dma_start3A_186 = tpu.memref_squeeze %dma_start3A_185 : memref<1x400xf32, #tpu.memory_space<vmem>> -> memref<400xf32, #tpu.memory_space<vmem>>
      %dma_start3A_187 = tpu.memref_slice %arg7[%add3A_178] : memref<1280000xf32, #tpu.memory_space<hbm>> -> memref<400xf32, #tpu.memory_space<hbm>>
      tpu.enqueue_dma source(%dma_start3A_187 : memref<400xf32, #tpu.memory_space<hbm>>) target(%dma_start3A_186 : memref<400xf32, #tpu.memory_space<vmem>>) target_semaphore(%arg26 : memref<!tpu.dma_semaphore, #tpu.memory_space<semaphore_mem>>)
      %add3A_188 = arith.constant 960000 : i32
      %add3A_189 = arith.addi %add3A_188, %add3A_84 : i32
      %dma_start3A_190 = arith.constant 3 : i32
      %dma_start3A_191 = arith.constant 0 : i32
      %dma_start3A_192 = tpu.memref_slice %arg23[%dma_start3A_190, %dma_start3A_191] : memref<4x400xf32, #tpu.memory_space<vmem>> -> memref<1x400xf32, #tpu.memory_space<vmem>>
      %dma_start3A_193 = tpu.memref_squeeze %dma_start3A_192 : memref<1x400xf32, #tpu.memory_space<vmem>> -> memref<400xf32, #tpu.memory_space<vmem>>
      %dma_start3A_194 = tpu.memref_slice %arg5[%add3A_189] : memref<1280000xf32, #tpu.memory_space<hbm>> -> memref<400xf32, #tpu.memory_space<hbm>>
      %dma_start3A_195 = arith.constant 0 : i32
      %dma_start3A_196 = tpu.memref_slice %arg23[%dma_start3A_190, %dma_start3A_195] : memref<4x400xf32, #tpu.memory_space<vmem>> -> memref<1x400xf32, #tpu.memory_space<vmem>>
      %dma_start3A_197 = tpu.memref_squeeze %dma_start3A_196 : memref<1x400xf32, #tpu.memory_space<vmem>> -> memref<400xf32, #tpu.memory_space<vmem>>
      %dma_start3A_198 = tpu.memref_slice %arg5[%add3A_189] : memref<1280000xf32, #tpu.memory_space<hbm>> -> memref<400xf32, #tpu.memory_space<hbm>>
      tpu.enqueue_dma source(%dma_start3A_198 : memref<400xf32, #tpu.memory_space<hbm>>) target(%dma_start3A_197 : memref<400xf32, #tpu.memory_space<vmem>>) target_semaphore(%arg26 : memref<!tpu.dma_semaphore, #tpu.memory_space<semaphore_mem>>)
      %add3A_199 = arith.constant 960000 : i32
      %add3A_200 = arith.addi %add3A_199, %add3A_84 : i32
      %dma_start3A_201 = arith.constant 3 : i32
      %dma_start3A_202 = arith.constant 0 : i32
      %dma_start3A_203 = tpu.memref_slice %arg24[%dma_start3A_201, %dma_start3A_202] : memref<4x400xf32, #tpu.memory_space<vmem>> -> memref<1x400xf32, #tpu.memory_space<vmem>>
      %dma_start3A_204 = tpu.memref_squeeze %dma_start3A_203 : memref<1x400xf32, #tpu.memory_space<vmem>> -> memref<400xf32, #tpu.memory_space<vmem>>
      %dma_start3A_205 = tpu.memref_slice %arg6[%add3A_200] : memref<1280000xf32, #tpu.memory_space<hbm>> -> memref<400xf32, #tpu.memory_space<hbm>>
      %dma_start3A_206 = arith.constant 0 : i32
      %dma_start3A_207 = tpu.memref_slice %arg24[%dma_start3A_201, %dma_start3A_206] : memref<4x400xf32, #tpu.memory_space<vmem>> -> memref<1x400xf32, #tpu.memory_space<vmem>>
      %dma_start3A_208 = tpu.memref_squeeze %dma_start3A_207 : memref<1x400xf32, #tpu.memory_space<vmem>> -> memref<400xf32, #tpu.memory_space<vmem>>
      %dma_start3A_209 = tpu.memref_slice %arg6[%add3A_200] : memref<1280000xf32, #tpu.memory_space<hbm>> -> memref<400xf32, #tpu.memory_space<hbm>>
      tpu.enqueue_dma source(%dma_start3A_209 : memref<400xf32, #tpu.memory_space<hbm>>) target(%dma_start3A_208 : memref<400xf32, #tpu.memory_space<vmem>>) target_semaphore(%arg26 : memref<!tpu.dma_semaphore, #tpu.memory_space<semaphore_mem>>)
      %add3A_210 = arith.constant 960000 : i32
      %add3A_211 = arith.addi %add3A_210, %add3A_84 : i32
      %dma_start3A_212 = arith.constant 3 : i32
      %dma_start3A_213 = arith.constant 0 : i32
      %dma_start3A_214 = tpu.memref_slice %arg25[%dma_start3A_212, %dma_start3A_213] : memref<4x400xf32, #tpu.memory_space<vmem>> -> memref<1x400xf32, #tpu.memory_space<vmem>>
      %dma_start3A_215 = tpu.memref_squeeze %dma_start3A_214 : memref<1x400xf32, #tpu.memory_space<vmem>> -> memref<400xf32, #tpu.memory_space<vmem>>
      %dma_start3A_216 = tpu.memref_slice %arg7[%add3A_211] : memref<1280000xf32, #tpu.memory_space<hbm>> -> memref<400xf32, #tpu.memory_space<hbm>>
      %dma_start3A_217 = arith.constant 0 : i32
      %dma_start3A_218 = tpu.memref_slice %arg25[%dma_start3A_212, %dma_start3A_217] : memref<4x400xf32, #tpu.memory_space<vmem>> -> memref<1x400xf32, #tpu.memory_space<vmem>>
      %dma_start3A_219 = tpu.memref_squeeze %dma_start3A_218 : memref<1x400xf32, #tpu.memory_space<vmem>> -> memref<400xf32, #tpu.memory_space<vmem>>
      %dma_start3A_220 = tpu.memref_slice %arg7[%add3A_211] : memref<1280000xf32, #tpu.memory_space<hbm>> -> memref<400xf32, #tpu.memory_space<hbm>>
      tpu.enqueue_dma source(%dma_start3A_220 : memref<400xf32, #tpu.memory_space<hbm>>) target(%dma_start3A_219 : memref<400xf32, #tpu.memory_space<vmem>>) target_semaphore(%arg26 : memref<!tpu.dma_semaphore, #tpu.memory_space<semaphore_mem>>)
      %dma_wait3A_221 = tpu.memref_slice %arg3[%add3A_84] : memref<320000xi32, #tpu.memory_space<hbm>> -> memref<400xi32, #tpu.memory_space<hbm>>
      %dma_wait3A_222 = tpu.memref_slice %arg3[%add3A_84] : memref<320000xi32, #tpu.memory_space<hbm>> -> memref<400xi32, #tpu.memory_space<hbm>>
      tpu.wait_dma2 semaphore(%arg26 : memref<!tpu.dma_semaphore, #tpu.memory_space<semaphore_mem>>) src(%dma_wait3A_222 : memref<400xi32, #tpu.memory_space<hbm>>) dst(%arg21 : memref<400xi32, #tpu.memory_space<vmem>>)
      %dma_wait3A_223 = tpu.memref_slice %arg4[%add3A_84] : memref<320000xi32, #tpu.memory_space<hbm>> -> memref<400xi32, #tpu.memory_space<hbm>>
      %dma_wait3A_224 = tpu.memref_slice %arg4[%add3A_84] : memref<320000xi32, #tpu.memory_space<hbm>> -> memref<400xi32, #tpu.memory_space<hbm>>
      tpu.wait_dma2 semaphore(%arg26 : memref<!tpu.dma_semaphore, #tpu.memory_space<semaphore_mem>>) src(%dma_wait3A_224 : memref<400xi32, #tpu.memory_space<hbm>>) dst(%arg22 : memref<400xi32, #tpu.memory_space<vmem>>)
      %dma_wait3A_225 = arith.constant 0 : i32
      %dma_wait3A_226 = arith.constant 0 : i32
      %dma_wait3A_227 = tpu.memref_slice %arg23[%dma_wait3A_225, %dma_wait3A_226] : memref<4x400xf32, #tpu.memory_space<vmem>> -> memref<1x400xf32, #tpu.memory_space<vmem>>
      %dma_wait3A_228 = tpu.memref_squeeze %dma_wait3A_227 : memref<1x400xf32, #tpu.memory_space<vmem>> -> memref<400xf32, #tpu.memory_space<vmem>>
      %dma_wait3A_229 = tpu.memref_slice %arg5[%add3A_90] : memref<1280000xf32, #tpu.memory_space<hbm>> -> memref<400xf32, #tpu.memory_space<hbm>>
      %dma_wait3A_230 = arith.constant 0 : i32
      %dma_wait3A_231 = tpu.memref_slice %arg23[%dma_wait3A_225, %dma_wait3A_230] : memref<4x400xf32, #tpu.memory_space<vmem>> -> memref<1x400xf32, #tpu.memory_space<vmem>>
      %dma_wait3A_232 = tpu.memref_squeeze %dma_wait3A_231 : memref<1x400xf32, #tpu.memory_space<vmem>> -> memref<400xf32, #tpu.memory_space<vmem>>
      %dma_wait3A_233 = tpu.memref_slice %arg5[%add3A_90] : memref<1280000xf32, #tpu.memory_space<hbm>> -> memref<400xf32, #tpu.memory_space<hbm>>
      tpu.wait_dma2 semaphore(%arg26 : memref<!tpu.dma_semaphore, #tpu.memory_space<semaphore_mem>>) src(%dma_wait3A_233 : memref<400xf32, #tpu.memory_space<hbm>>) dst(%dma_wait3A_232 : memref<400xf32, #tpu.memory_space<vmem>>)
      %dma_wait3A_234 = arith.constant 0 : i32
      %dma_wait3A_235 = arith.constant 0 : i32
      %dma_wait3A_236 = tpu.memref_slice %arg24[%dma_wait3A_234, %dma_wait3A_235] : memref<4x400xf32, #tpu.memory_space<vmem>> -> memref<1x400xf32, #tpu.memory_space<vmem>>
      %dma_wait3A_237 = tpu.memref_squeeze %dma_wait3A_236 : memref<1x400xf32, #tpu.memory_space<vmem>> -> memref<400xf32, #tpu.memory_space<vmem>>
      %dma_wait3A_238 = tpu.memref_slice %arg6[%add3A_101] : memref<1280000xf32, #tpu.memory_space<hbm>> -> memref<400xf32, #tpu.memory_space<hbm>>
      %dma_wait3A_239 = arith.constant 0 : i32
      %dma_wait3A_240 = tpu.memref_slice %arg24[%dma_wait3A_234, %dma_wait3A_239] : memref<4x400xf32, #tpu.memory_space<vmem>> -> memref<1x400xf32, #tpu.memory_space<vmem>>
      %dma_wait3A_241 = tpu.memref_squeeze %dma_wait3A_240 : memref<1x400xf32, #tpu.memory_space<vmem>> -> memref<400xf32, #tpu.memory_space<vmem>>
      %dma_wait3A_242 = tpu.memref_slice %arg6[%add3A_101] : memref<1280000xf32, #tpu.memory_space<hbm>> -> memref<400xf32, #tpu.memory_space<hbm>>
      tpu.wait_dma2 semaphore(%arg26 : memref<!tpu.dma_semaphore, #tpu.memory_space<semaphore_mem>>) src(%dma_wait3A_242 : memref<400xf32, #tpu.memory_space<hbm>>) dst(%dma_wait3A_241 : memref<400xf32, #tpu.memory_space<vmem>>)
      %dma_wait3A_243 = arith.constant 0 : i32
      %dma_wait3A_244 = arith.constant 0 : i32
      %dma_wait3A_245 = tpu.memref_slice %arg25[%dma_wait3A_243, %dma_wait3A_244] : memref<4x400xf32, #tpu.memory_space<vmem>> -> memref<1x400xf32, #tpu.memory_space<vmem>>
      %dma_wait3A_246 = tpu.memref_squeeze %dma_wait3A_245 : memref<1x400xf32, #tpu.memory_space<vmem>> -> memref<400xf32, #tpu.memory_space<vmem>>
      %dma_wait3A_247 = tpu.memref_slice %arg7[%add3A_112] : memref<1280000xf32, #tpu.memory_space<hbm>> -> memref<400xf32, #tpu.memory_space<hbm>>
      %dma_wait3A_248 = arith.constant 0 : i32
      %dma_wait3A_249 = tpu.memref_slice %arg25[%dma_wait3A_243, %dma_wait3A_248] : memref<4x400xf32, #tpu.memory_space<vmem>> -> memref<1x400xf32, #tpu.memory_space<vmem>>
      %dma_wait3A_250 = tpu.memref_squeeze %dma_wait3A_249 : memref<1x400xf32, #tpu.memory_space<vmem>> -> memref<400xf32, #tpu.memory_space<vmem>>
      %dma_wait3A_251 = tpu.memref_slice %arg7[%add3A_112] : memref<1280000xf32, #tpu.memory_space<hbm>> -> memref<400xf32, #tpu.memory_space<hbm>>
      tpu.wait_dma2 semaphore(%arg26 : memref<!tpu.dma_semaphore, #tpu.memory_space<semaphore_mem>>) src(%dma_wait3A_251 : memref<400xf32, #tpu.memory_space<hbm>>) dst(%dma_wait3A_250 : memref<400xf32, #tpu.memory_space<vmem>>)
      %dma_wait3A_252 = arith.constant 1 : i32
      %dma_wait3A_253 = arith.constant 0 : i32
      %dma_wait3A_254 = tpu.memref_slice %arg23[%dma_wait3A_252, %dma_wait3A_253] : memref<4x400xf32, #tpu.memory_space<vmem>> -> memref<1x400xf32, #tpu.memory_space<vmem>>
      %dma_wait3A_255 = tpu.memref_squeeze %dma_wait3A_254 : memref<1x400xf32, #tpu.memory_space<vmem>> -> memref<400xf32, #tpu.memory_space<vmem>>
      %dma_wait3A_256 = tpu.memref_slice %arg5[%add3A_123] : memref<1280000xf32, #tpu.memory_space<hbm>> -> memref<400xf32, #tpu.memory_space<hbm>>
      %dma_wait3A_257 = arith.constant 0 : i32
      %dma_wait3A_258 = tpu.memref_slice %arg23[%dma_wait3A_252, %dma_wait3A_257] : memref<4x400xf32, #tpu.memory_space<vmem>> -> memref<1x400xf32, #tpu.memory_space<vmem>>
      %dma_wait3A_259 = tpu.memref_squeeze %dma_wait3A_258 : memref<1x400xf32, #tpu.memory_space<vmem>> -> memref<400xf32, #tpu.memory_space<vmem>>
      %dma_wait3A_260 = tpu.memref_slice %arg5[%add3A_123] : memref<1280000xf32, #tpu.memory_space<hbm>> -> memref<400xf32, #tpu.memory_space<hbm>>
      tpu.wait_dma2 semaphore(%arg26 : memref<!tpu.dma_semaphore, #tpu.memory_space<semaphore_mem>>) src(%dma_wait3A_260 : memref<400xf32, #tpu.memory_space<hbm>>) dst(%dma_wait3A_259 : memref<400xf32, #tpu.memory_space<vmem>>)
      %dma_wait3A_261 = arith.constant 1 : i32
      %dma_wait3A_262 = arith.constant 0 : i32
      %dma_wait3A_263 = tpu.memref_slice %arg24[%dma_wait3A_261, %dma_wait3A_262] : memref<4x400xf32, #tpu.memory_space<vmem>> -> memref<1x400xf32, #tpu.memory_space<vmem>>
      %dma_wait3A_264 = tpu.memref_squeeze %dma_wait3A_263 : memref<1x400xf32, #tpu.memory_space<vmem>> -> memref<400xf32, #tpu.memory_space<vmem>>
      %dma_wait3A_265 = tpu.memref_slice %arg6[%add3A_134] : memref<1280000xf32, #tpu.memory_space<hbm>> -> memref<400xf32, #tpu.memory_space<hbm>>
      %dma_wait3A_266 = arith.constant 0 : i32
      %dma_wait3A_267 = tpu.memref_slice %arg24[%dma_wait3A_261, %dma_wait3A_266] : memref<4x400xf32, #tpu.memory_space<vmem>> -> memref<1x400xf32, #tpu.memory_space<vmem>>
      %dma_wait3A_268 = tpu.memref_squeeze %dma_wait3A_267 : memref<1x400xf32, #tpu.memory_space<vmem>> -> memref<400xf32, #tpu.memory_space<vmem>>
      %dma_wait3A_269 = tpu.memref_slice %arg6[%add3A_134] : memref<1280000xf32, #tpu.memory_space<hbm>> -> memref<400xf32, #tpu.memory_space<hbm>>
      tpu.wait_dma2 semaphore(%arg26 : memref<!tpu.dma_semaphore, #tpu.memory_space<semaphore_mem>>) src(%dma_wait3A_269 : memref<400xf32, #tpu.memory_space<hbm>>) dst(%dma_wait3A_268 : memref<400xf32, #tpu.memory_space<vmem>>)
      %dma_wait3A_270 = arith.constant 1 : i32
      %dma_wait3A_271 = arith.constant 0 : i32
      %dma_wait3A_272 = tpu.memref_slice %arg25[%dma_wait3A_270, %dma_wait3A_271] : memref<4x400xf32, #tpu.memory_space<vmem>> -> memref<1x400xf32, #tpu.memory_space<vmem>>
      %dma_wait3A_273 = tpu.memref_squeeze %dma_wait3A_272 : memref<1x400xf32, #tpu.memory_space<vmem>> -> memref<400xf32, #tpu.memory_space<vmem>>
      %dma_wait3A_274 = tpu.memref_slice %arg7[%add3A_145] : memref<1280000xf32, #tpu.memory_space<hbm>> -> memref<400xf32, #tpu.memory_space<hbm>>
      %dma_wait3A_275 = arith.constant 0 : i32
      %dma_wait3A_276 = tpu.memref_slice %arg25[%dma_wait3A_270, %dma_wait3A_275] : memref<4x400xf32, #tpu.memory_space<vmem>> -> memref<1x400xf32, #tpu.memory_space<vmem>>
      %dma_wait3A_277 = tpu.memref_squeeze %dma_wait3A_276 : memref<1x400xf32, #tpu.memory_space<vmem>> -> memref<400xf32, #tpu.memory_space<vmem>>
      %dma_wait3A_278 = tpu.memref_slice %arg7[%add3A_145] : memref<1280000xf32, #tpu.memory_space<hbm>> -> memref<400xf32, #tpu.memory_space<hbm>>
      tpu.wait_dma2 semaphore(%arg26 : memref<!tpu.dma_semaphore, #tpu.memory_space<semaphore_mem>>) src(%dma_wait3A_278 : memref<400xf32, #tpu.memory_space<hbm>>) dst(%dma_wait3A_277 : memref<400xf32, #tpu.memory_space<vmem>>)
      %dma_wait3A_279 = arith.constant 2 : i32
      %dma_wait3A_280 = arith.constant 0 : i32
      %dma_wait3A_281 = tpu.memref_slice %arg23[%dma_wait3A_279, %dma_wait3A_280] : memref<4x400xf32, #tpu.memory_space<vmem>> -> memref<1x400xf32, #tpu.memory_space<vmem>>
      %dma_wait3A_282 = tpu.memref_squeeze %dma_wait3A_281 : memref<1x400xf32, #tpu.memory_space<vmem>> -> memref<400xf32, #tpu.memory_space<vmem>>
      %dma_wait3A_283 = tpu.memref_slice %arg5[%add3A_156] : memref<1280000xf32, #tpu.memory_space<hbm>> -> memref<400xf32, #tpu.memory_space<hbm>>
      %dma_wait3A_284 = arith.constant 0 : i32
      %dma_wait3A_285 = tpu.memref_slice %arg23[%dma_wait3A_279, %dma_wait3A_284] : memref<4x400xf32, #tpu.memory_space<vmem>> -> memref<1x400xf32, #tpu.memory_space<vmem>>
      %dma_wait3A_286 = tpu.memref_squeeze %dma_wait3A_285 : memref<1x400xf32, #tpu.memory_space<vmem>> -> memref<400xf32, #tpu.memory_space<vmem>>
      %dma_wait3A_287 = tpu.memref_slice %arg5[%add3A_156] : memref<1280000xf32, #tpu.memory_space<hbm>> -> memref<400xf32, #tpu.memory_space<hbm>>
      tpu.wait_dma2 semaphore(%arg26 : memref<!tpu.dma_semaphore, #tpu.memory_space<semaphore_mem>>) src(%dma_wait3A_287 : memref<400xf32, #tpu.memory_space<hbm>>) dst(%dma_wait3A_286 : memref<400xf32, #tpu.memory_space<vmem>>)
      %dma_wait3A_288 = arith.constant 2 : i32
      %dma_wait3A_289 = arith.constant 0 : i32
      %dma_wait3A_290 = tpu.memref_slice %arg24[%dma_wait3A_288, %dma_wait3A_289] : memref<4x400xf32, #tpu.memory_space<vmem>> -> memref<1x400xf32, #tpu.memory_space<vmem>>
      %dma_wait3A_291 = tpu.memref_squeeze %dma_wait3A_290 : memref<1x400xf32, #tpu.memory_space<vmem>> -> memref<400xf32, #tpu.memory_space<vmem>>
      %dma_wait3A_292 = tpu.memref_slice %arg6[%add3A_167] : memref<1280000xf32, #tpu.memory_space<hbm>> -> memref<400xf32, #tpu.memory_space<hbm>>
      %dma_wait3A_293 = arith.constant 0 : i32
      %dma_wait3A_294 = tpu.memref_slice %arg24[%dma_wait3A_288, %dma_wait3A_293] : memref<4x400xf32, #tpu.memory_space<vmem>> -> memref<1x400xf32, #tpu.memory_space<vmem>>
      %dma_wait3A_295 = tpu.memref_squeeze %dma_wait3A_294 : memref<1x400xf32, #tpu.memory_space<vmem>> -> memref<400xf32, #tpu.memory_space<vmem>>
      %dma_wait3A_296 = tpu.memref_slice %arg6[%add3A_167] : memref<1280000xf32, #tpu.memory_space<hbm>> -> memref<400xf32, #tpu.memory_space<hbm>>
      tpu.wait_dma2 semaphore(%arg26 : memref<!tpu.dma_semaphore, #tpu.memory_space<semaphore_mem>>) src(%dma_wait3A_296 : memref<400xf32, #tpu.memory_space<hbm>>) dst(%dma_wait3A_295 : memref<400xf32, #tpu.memory_space<vmem>>)
      %dma_wait3A_297 = arith.constant 2 : i32
      %dma_wait3A_298 = arith.constant 0 : i32
      %dma_wait3A_299 = tpu.memref_slice %arg25[%dma_wait3A_297, %dma_wait3A_298] : memref<4x400xf32, #tpu.memory_space<vmem>> -> memref<1x400xf32, #tpu.memory_space<vmem>>
      %dma_wait3A_300 = tpu.memref_squeeze %dma_wait3A_299 : memref<1x400xf32, #tpu.memory_space<vmem>> -> memref<400xf32, #tpu.memory_space<vmem>>
      %dma_wait3A_301 = tpu.memref_slice %arg7[%add3A_178] : memref<1280000xf32, #tpu.memory_space<hbm>> -> memref<400xf32, #tpu.memory_space<hbm>>
      %dma_wait3A_302 = arith.constant 0 : i32
      %dma_wait3A_303 = tpu.memref_slice %arg25[%dma_wait3A_297, %dma_wait3A_302] : memref<4x400xf32, #tpu.memory_space<vmem>> -> memref<1x400xf32, #tpu.memory_space<vmem>>
      %dma_wait3A_304 = tpu.memref_squeeze %dma_wait3A_303 : memref<1x400xf32, #tpu.memory_space<vmem>> -> memref<400xf32, #tpu.memory_space<vmem>>
      %dma_wait3A_305 = tpu.memref_slice %arg7[%add3A_178] : memref<1280000xf32, #tpu.memory_space<hbm>> -> memref<400xf32, #tpu.memory_space<hbm>>
      tpu.wait_dma2 semaphore(%arg26 : memref<!tpu.dma_semaphore, #tpu.memory_space<semaphore_mem>>) src(%dma_wait3A_305 : memref<400xf32, #tpu.memory_space<hbm>>) dst(%dma_wait3A_304 : memref<400xf32, #tpu.memory_space<vmem>>)
      %dma_wait3A_306 = arith.constant 3 : i32
      %dma_wait3A_307 = arith.constant 0 : i32
      %dma_wait3A_308 = tpu.memref_slice %arg23[%dma_wait3A_306, %dma_wait3A_307] : memref<4x400xf32, #tpu.memory_space<vmem>> -> memref<1x400xf32, #tpu.memory_space<vmem>>
      %dma_wait3A_309 = tpu.memref_squeeze %dma_wait3A_308 : memref<1x400xf32, #tpu.memory_space<vmem>> -> memref<400xf32, #tpu.memory_space<vmem>>
      %dma_wait3A_310 = tpu.memref_slice %arg5[%add3A_189] : memref<1280000xf32, #tpu.memory_space<hbm>> -> memref<400xf32, #tpu.memory_space<hbm>>
      %dma_wait3A_311 = arith.constant 0 : i32
      %dma_wait3A_312 = tpu.memref_slice %arg23[%dma_wait3A_306, %dma_wait3A_311] : memref<4x400xf32, #tpu.memory_space<vmem>> -> memref<1x400xf32, #tpu.memory_space<vmem>>
      %dma_wait3A_313 = tpu.memref_squeeze %dma_wait3A_312 : memref<1x400xf32, #tpu.memory_space<vmem>> -> memref<400xf32, #tpu.memory_space<vmem>>
      %dma_wait3A_314 = tpu.memref_slice %arg5[%add3A_189] : memref<1280000xf32, #tpu.memory_space<hbm>> -> memref<400xf32, #tpu.memory_space<hbm>>
      tpu.wait_dma2 semaphore(%arg26 : memref<!tpu.dma_semaphore, #tpu.memory_space<semaphore_mem>>) src(%dma_wait3A_314 : memref<400xf32, #tpu.memory_space<hbm>>) dst(%dma_wait3A_313 : memref<400xf32, #tpu.memory_space<vmem>>)
      %dma_wait3A_315 = arith.constant 3 : i32
      %dma_wait3A_316 = arith.constant 0 : i32
      %dma_wait3A_317 = tpu.memref_slice %arg24[%dma_wait3A_315, %dma_wait3A_316] : memref<4x400xf32, #tpu.memory_space<vmem>> -> memref<1x400xf32, #tpu.memory_space<vmem>>
      %dma_wait3A_318 = tpu.memref_squeeze %dma_wait3A_317 : memref<1x400xf32, #tpu.memory_space<vmem>> -> memref<400xf32, #tpu.memory_space<vmem>>
      %dma_wait3A_319 = tpu.memref_slice %arg6[%add3A_200] : memref<1280000xf32, #tpu.memory_space<hbm>> -> memref<400xf32, #tpu.memory_space<hbm>>
      %dma_wait3A_320 = arith.constant 0 : i32
      %dma_wait3A_321 = tpu.memref_slice %arg24[%dma_wait3A_315, %dma_wait3A_320] : memref<4x400xf32, #tpu.memory_space<vmem>> -> memref<1x400xf32, #tpu.memory_space<vmem>>
      %dma_wait3A_322 = tpu.memref_squeeze %dma_wait3A_321 : memref<1x400xf32, #tpu.memory_space<vmem>> -> memref<400xf32, #tpu.memory_space<vmem>>
      %dma_wait3A_323 = tpu.memref_slice %arg6[%add3A_200] : memref<1280000xf32, #tpu.memory_space<hbm>> -> memref<400xf32, #tpu.memory_space<hbm>>
      tpu.wait_dma2 semaphore(%arg26 : memref<!tpu.dma_semaphore, #tpu.memory_space<semaphore_mem>>) src(%dma_wait3A_323 : memref<400xf32, #tpu.memory_space<hbm>>) dst(%dma_wait3A_322 : memref<400xf32, #tpu.memory_space<vmem>>)
      %dma_wait3A_324 = arith.constant 3 : i32
      %dma_wait3A_325 = arith.constant 0 : i32
      %dma_wait3A_326 = tpu.memref_slice %arg25[%dma_wait3A_324, %dma_wait3A_325] : memref<4x400xf32, #tpu.memory_space<vmem>> -> memref<1x400xf32, #tpu.memory_space<vmem>>
      %dma_wait3A_327 = tpu.memref_squeeze %dma_wait3A_326 : memref<1x400xf32, #tpu.memory_space<vmem>> -> memref<400xf32, #tpu.memory_space<vmem>>
      %dma_wait3A_328 = tpu.memref_slice %arg7[%add3A_211] : memref<1280000xf32, #tpu.memory_space<hbm>> -> memref<400xf32, #tpu.memory_space<hbm>>
      %dma_wait3A_329 = arith.constant 0 : i32
      %dma_wait3A_330 = tpu.memref_slice %arg25[%dma_wait3A_324, %dma_wait3A_329] : memref<4x400xf32, #tpu.memory_space<vmem>> -> memref<1x400xf32, #tpu.memory_space<vmem>>
      %dma_wait3A_331 = tpu.memref_squeeze %dma_wait3A_330 : memref<1x400xf32, #tpu.memory_space<vmem>> -> memref<400xf32, #tpu.memory_space<vmem>>
      %dma_wait3A_332 = tpu.memref_slice %arg7[%add3A_211] : memref<1280000xf32, #tpu.memory_space<hbm>> -> memref<400xf32, #tpu.memory_space<hbm>>
      tpu.wait_dma2 semaphore(%arg26 : memref<!tpu.dma_semaphore, #tpu.memory_space<semaphore_mem>>) src(%dma_wait3A_332 : memref<400xf32, #tpu.memory_space<hbm>>) dst(%dma_wait3A_331 : memref<400xf32, #tpu.memory_space<vmem>>)
      %parallel_loop3A_333 = arith.constant 0 : i32
      %parallel_loop3A_334 = arith.constant 25 : i32
      %parallel_loop3A_335 = arith.constant 1 : i32
      scf.for %parallel_loop3A_336 = %parallel_loop3A_333 to %parallel_loop3A_334 step %parallel_loop3A_335  : i32 {
        %parallel_loop3A_337 = arith.constant 16 : i32
        %parallel_loop3A_338 = arith.muli %parallel_loop3A_336, %parallel_loop3A_337 : i32
        %parallel_loop3A_339 = arith.index_cast %parallel_loop3A_338 : i32 to index
        %parallel_loop3A_340 = tpu.vector_load %arg21[%parallel_loop3A_339] {strides = array<i32>} : memref<400xi32, #tpu.memory_space<vmem>>, vector<16xi32>,
        %parallel_loop3A_341 = arith.constant 16 : i32
        %parallel_loop3A_342 = arith.muli %parallel_loop3A_336, %parallel_loop3A_341 : i32
        %parallel_loop3A_343 = arith.index_cast %parallel_loop3A_342 : i32 to index
        %parallel_loop3A_344 = tpu.vector_load %arg22[%parallel_loop3A_343] {strides = array<i32>} : memref<400xi32, #tpu.memory_space<vmem>>, vector<16xi32>,
        %parallel_loop3A_345 = tpu.vector_load_idx %arg9[%parallel_loop3A_340] : memref<10000xf32, #tpu.memory_space<vmem>>[vector<16xi32>], vector<16xf32>,
        %parallel_loop3A_346 = tpu.vector_load_idx %arg9[%parallel_loop3A_344] : memref<10000xf32, #tpu.memory_space<vmem>>[vector<16xi32>], vector<16xf32>,
        %parallel_loop3A_347 = arith.constant 16 : i32
        %parallel_loop3A_348 = arith.muli %parallel_loop3A_336, %parallel_loop3A_347 : i32
        %parallel_loop3A_349 = arith.constant 0 : i32
        %parallel_loop3A_350 = arith.index_cast %parallel_loop3A_349 : i32 to index
        %parallel_loop3A_351 = arith.index_cast %parallel_loop3A_348 : i32 to index
        %parallel_loop3A_352 = tpu.vector_load %arg25[%parallel_loop3A_350, %parallel_loop3A_351] {strides = array<i32>} : memref<4x400xf32, #tpu.memory_space<vmem>>, vector<16xf32>,
        %parallel_loop3A_353 = arith.mulf %parallel_loop3A_352, %parallel_loop3A_346 : vector<16xf32>
        %parallel_loop3A_354 = arith.constant 9.99999997E-7 : f32
        %parallel_loop3A_355 = vector.broadcast %parallel_loop3A_354 : f32 to vector<16xf32>
        %parallel_loop3A_356 = arith.addf %parallel_loop3A_345, %parallel_loop3A_355 : vector<16xf32>
        %parallel_loop3A_357 = arith.divf %parallel_loop3A_353, %parallel_loop3A_356 : vector<16xf32>
        tpu.vector_store_idx %arg13[%parallel_loop3A_340], %parallel_loop3A_357 {add = true} : memref<10240xf32, #tpu.memory_space<vmem>>[vector<16xi32>], vector<16xf32>,
        %parallel_loop3A_358 = arith.constant 16 : i32
        %parallel_loop3A_359 = arith.muli %parallel_loop3A_336, %parallel_loop3A_358 : i32
        %parallel_loop3A_360 = arith.constant 0 : i32
        %parallel_loop3A_361 = arith.index_cast %parallel_loop3A_360 : i32 to index
        %parallel_loop3A_362 = arith.index_cast %parallel_loop3A_359 : i32 to index
        %parallel_loop3A_363 = tpu.vector_load %arg23[%parallel_loop3A_361, %parallel_loop3A_362] {strides = array<i32>} : memref<4x400xf32, #tpu.memory_space<vmem>>, vector<16xf32>,
        %parallel_loop3A_364 = arith.constant 16 : i32
        %parallel_loop3A_365 = arith.muli %parallel_loop3A_336, %parallel_loop3A_364 : i32
        %parallel_loop3A_366 = arith.constant 0 : i32
        %parallel_loop3A_367 = arith.index_cast %parallel_loop3A_366 : i32 to index
        %parallel_loop3A_368 = arith.index_cast %parallel_loop3A_365 : i32 to index
        %parallel_loop3A_369 = tpu.vector_load %arg24[%parallel_loop3A_367, %parallel_loop3A_368] {strides = array<i32>} : memref<4x400xf32, #tpu.memory_space<vmem>>, vector<16xf32>,
        %parallel_loop3A_370 = arith.constant 9.99999997E-7 : f32
        %parallel_loop3A_371 = vector.broadcast %parallel_loop3A_370 : f32 to vector<16xf32>
        %parallel_loop3A_372 = arith.addf %parallel_loop3A_369, %parallel_loop3A_371 : vector<16xf32>
        %parallel_loop3A_373 = arith.cmpf ogt, %parallel_loop3A_363, %parallel_loop3A_372 : vector<16xf32>
        tpu.vector_store_idx %arg17[%parallel_loop3A_340], %broadcast_in_dim3A_17 masked %parallel_loop3A_373 : memref<10240xf32, #tpu.memory_space<vmem>>[vector<16xi32>], vector<16xf32>, vector<16xi1>
        %parallel_loop3A_374 = tpu.vector_load_idx %arg10[%parallel_loop3A_340] : memref<10000xf32, #tpu.memory_space<vmem>>[vector<16xi32>], vector<16xf32>,
        %parallel_loop3A_375 = tpu.vector_load_idx %arg10[%parallel_loop3A_344] : memref<10000xf32, #tpu.memory_space<vmem>>[vector<16xi32>], vector<16xf32>,
        %parallel_loop3A_376 = arith.constant 16 : i32
        %parallel_loop3A_377 = arith.muli %parallel_loop3A_336, %parallel_loop3A_376 : i32
        %parallel_loop3A_378 = arith.constant 1 : i32
        %parallel_loop3A_379 = arith.index_cast %parallel_loop3A_378 : i32 to index
        %parallel_loop3A_380 = arith.index_cast %parallel_loop3A_377 : i32 to index
        %parallel_loop3A_381 = tpu.vector_load %arg25[%parallel_loop3A_379, %parallel_loop3A_380] {strides = array<i32>} : memref<4x400xf32, #tpu.memory_space<vmem>>, vector<16xf32>,
        %parallel_loop3A_382 = arith.mulf %parallel_loop3A_381, %parallel_loop3A_375 : vector<16xf32>
        %parallel_loop3A_383 = arith.constant 9.99999997E-7 : f32
        %parallel_loop3A_384 = vector.broadcast %parallel_loop3A_383 : f32 to vector<16xf32>
        %parallel_loop3A_385 = arith.addf %parallel_loop3A_374, %parallel_loop3A_384 : vector<16xf32>
        %parallel_loop3A_386 = arith.divf %parallel_loop3A_382, %parallel_loop3A_385 : vector<16xf32>
        tpu.vector_store_idx %arg14[%parallel_loop3A_340], %parallel_loop3A_386 {add = true} : memref<10240xf32, #tpu.memory_space<vmem>>[vector<16xi32>], vector<16xf32>,
        %parallel_loop3A_387 = arith.constant 16 : i32
        %parallel_loop3A_388 = arith.muli %parallel_loop3A_336, %parallel_loop3A_387 : i32
        %parallel_loop3A_389 = arith.constant 1 : i32
        %parallel_loop3A_390 = arith.index_cast %parallel_loop3A_389 : i32 to index
        %parallel_loop3A_391 = arith.index_cast %parallel_loop3A_388 : i32 to index
        %parallel_loop3A_392 = tpu.vector_load %arg23[%parallel_loop3A_390, %parallel_loop3A_391] {strides = array<i32>} : memref<4x400xf32, #tpu.memory_space<vmem>>, vector<16xf32>,
        %parallel_loop3A_393 = arith.constant 16 : i32
        %parallel_loop3A_394 = arith.muli %parallel_loop3A_336, %parallel_loop3A_393 : i32
        %parallel_loop3A_395 = arith.constant 1 : i32
        %parallel_loop3A_396 = arith.index_cast %parallel_loop3A_395 : i32 to index
        %parallel_loop3A_397 = arith.index_cast %parallel_loop3A_394 : i32 to index
        %parallel_loop3A_398 = tpu.vector_load %arg24[%parallel_loop3A_396, %parallel_loop3A_397] {strides = array<i32>} : memref<4x400xf32, #tpu.memory_space<vmem>>, vector<16xf32>,
        %parallel_loop3A_399 = arith.constant 9.99999997E-7 : f32
        %parallel_loop3A_400 = vector.broadcast %parallel_loop3A_399 : f32 to vector<16xf32>
        %parallel_loop3A_401 = arith.addf %parallel_loop3A_398, %parallel_loop3A_400 : vector<16xf32>
        %parallel_loop3A_402 = arith.cmpf ogt, %parallel_loop3A_392, %parallel_loop3A_401 : vector<16xf32>
        tpu.vector_store_idx %arg18[%parallel_loop3A_340], %broadcast_in_dim3A_17 masked %parallel_loop3A_402 : memref<10240xf32, #tpu.memory_space<vmem>>[vector<16xi32>], vector<16xf32>, vector<16xi1>
        %parallel_loop3A_403 = tpu.vector_load_idx %arg11[%parallel_loop3A_340] : memref<10000xf32, #tpu.memory_space<vmem>>[vector<16xi32>], vector<16xf32>,
        %parallel_loop3A_404 = tpu.vector_load_idx %arg11[%parallel_loop3A_344] : memref<10000xf32, #tpu.memory_space<vmem>>[vector<16xi32>], vector<16xf32>,
        %parallel_loop3A_405 = arith.constant 16 : i32
        %parallel_loop3A_406 = arith.muli %parallel_loop3A_336, %parallel_loop3A_405 : i32
        %parallel_loop3A_407 = arith.constant 2 : i32
        %parallel_loop3A_408 = arith.index_cast %parallel_loop3A_407 : i32 to index
        %parallel_loop3A_409 = arith.index_cast %parallel_loop3A_406 : i32 to index
        %parallel_loop3A_410 = tpu.vector_load %arg25[%parallel_loop3A_408, %parallel_loop3A_409] {strides = array<i32>} : memref<4x400xf32, #tpu.memory_space<vmem>>, vector<16xf32>,
        %parallel_loop3A_411 = arith.mulf %parallel_loop3A_410, %parallel_loop3A_404 : vector<16xf32>
        %parallel_loop3A_412 = arith.constant 9.99999997E-7 : f32
        %parallel_loop3A_413 = vector.broadcast %parallel_loop3A_412 : f32 to vector<16xf32>
        %parallel_loop3A_414 = arith.addf %parallel_loop3A_403, %parallel_loop3A_413 : vector<16xf32>
        %parallel_loop3A_415 = arith.divf %parallel_loop3A_411, %parallel_loop3A_414 : vector<16xf32>
        tpu.vector_store_idx %arg15[%parallel_loop3A_340], %parallel_loop3A_415 {add = true} : memref<10240xf32, #tpu.memory_space<vmem>>[vector<16xi32>], vector<16xf32>,
        %parallel_loop3A_416 = arith.constant 16 : i32
        %parallel_loop3A_417 = arith.muli %parallel_loop3A_336, %parallel_loop3A_416 : i32
        %parallel_loop3A_418 = arith.constant 2 : i32
        %parallel_loop3A_419 = arith.index_cast %parallel_loop3A_418 : i32 to index
        %parallel_loop3A_420 = arith.index_cast %parallel_loop3A_417 : i32 to index
        %parallel_loop3A_421 = tpu.vector_load %arg23[%parallel_loop3A_419, %parallel_loop3A_420] {strides = array<i32>} : memref<4x400xf32, #tpu.memory_space<vmem>>, vector<16xf32>,
        %parallel_loop3A_422 = arith.constant 16 : i32
        %parallel_loop3A_423 = arith.muli %parallel_loop3A_336, %parallel_loop3A_422 : i32
        %parallel_loop3A_424 = arith.constant 2 : i32
        %parallel_loop3A_425 = arith.index_cast %parallel_loop3A_424 : i32 to index
        %parallel_loop3A_426 = arith.index_cast %parallel_loop3A_423 : i32 to index
        %parallel_loop3A_427 = tpu.vector_load %arg24[%parallel_loop3A_425, %parallel_loop3A_426] {strides = array<i32>} : memref<4x400xf32, #tpu.memory_space<vmem>>, vector<16xf32>,
        %parallel_loop3A_428 = arith.constant 9.99999997E-7 : f32
        %parallel_loop3A_429 = vector.broadcast %parallel_loop3A_428 : f32 to vector<16xf32>
        %parallel_loop3A_430 = arith.addf %parallel_loop3A_427, %parallel_loop3A_429 : vector<16xf32>
        %parallel_loop3A_431 = arith.cmpf ogt, %parallel_loop3A_421, %parallel_loop3A_430 : vector<16xf32>
        tpu.vector_store_idx %arg19[%parallel_loop3A_340], %broadcast_in_dim3A_17 masked %parallel_loop3A_431 : memref<10240xf32, #tpu.memory_space<vmem>>[vector<16xi32>], vector<16xf32>, vector<16xi1>
        %parallel_loop3A_432 = tpu.vector_load_idx %arg12[%parallel_loop3A_340] : memref<10000xf32, #tpu.memory_space<vmem>>[vector<16xi32>], vector<16xf32>,
        %parallel_loop3A_433 = tpu.vector_load_idx %arg12[%parallel_loop3A_344] : memref<10000xf32, #tpu.memory_space<vmem>>[vector<16xi32>], vector<16xf32>,
        %parallel_loop3A_434 = arith.constant 16 : i32
        %parallel_loop3A_435 = arith.muli %parallel_loop3A_336, %parallel_loop3A_434 : i32
        %parallel_loop3A_436 = arith.constant 3 : i32
        %parallel_loop3A_437 = arith.index_cast %parallel_loop3A_436 : i32 to index
        %parallel_loop3A_438 = arith.index_cast %parallel_loop3A_435 : i32 to index
        %parallel_loop3A_439 = tpu.vector_load %arg25[%parallel_loop3A_437, %parallel_loop3A_438] {strides = array<i32>} : memref<4x400xf32, #tpu.memory_space<vmem>>, vector<16xf32>,
        %parallel_loop3A_440 = arith.mulf %parallel_loop3A_439, %parallel_loop3A_433 : vector<16xf32>
        %parallel_loop3A_441 = arith.constant 9.99999997E-7 : f32
        %parallel_loop3A_442 = vector.broadcast %parallel_loop3A_441 : f32 to vector<16xf32>
        %parallel_loop3A_443 = arith.addf %parallel_loop3A_432, %parallel_loop3A_442 : vector<16xf32>
        %parallel_loop3A_444 = arith.divf %parallel_loop3A_440, %parallel_loop3A_443 : vector<16xf32>
        tpu.vector_store_idx %arg16[%parallel_loop3A_340], %parallel_loop3A_444 {add = true} : memref<10240xf32, #tpu.memory_space<vmem>>[vector<16xi32>], vector<16xf32>,
        %parallel_loop3A_445 = arith.constant 16 : i32
        %parallel_loop3A_446 = arith.muli %parallel_loop3A_336, %parallel_loop3A_445 : i32
        %parallel_loop3A_447 = arith.constant 3 : i32
        %parallel_loop3A_448 = arith.index_cast %parallel_loop3A_447 : i32 to index
        %parallel_loop3A_449 = arith.index_cast %parallel_loop3A_446 : i32 to index
        %parallel_loop3A_450 = tpu.vector_load %arg23[%parallel_loop3A_448, %parallel_loop3A_449] {strides = array<i32>} : memref<4x400xf32, #tpu.memory_space<vmem>>, vector<16xf32>,
        %parallel_loop3A_451 = arith.constant 16 : i32
        %parallel_loop3A_452 = arith.muli %parallel_loop3A_336, %parallel_loop3A_451 : i32
        %parallel_loop3A_453 = arith.constant 3 : i32
        %parallel_loop3A_454 = arith.index_cast %parallel_loop3A_453 : i32 to index
        %parallel_loop3A_455 = arith.index_cast %parallel_loop3A_452 : i32 to index
        %parallel_loop3A_456 = tpu.vector_load %arg24[%parallel_loop3A_454, %parallel_loop3A_455] {strides = array<i32>} : memref<4x400xf32, #tpu.memory_space<vmem>>, vector<16xf32>,
        %parallel_loop3A_457 = arith.constant 9.99999997E-7 : f32
        %parallel_loop3A_458 = vector.broadcast %parallel_loop3A_457 : f32 to vector<16xf32>
        %parallel_loop3A_459 = arith.addf %parallel_loop3A_456, %parallel_loop3A_458 : vector<16xf32>
        %parallel_loop3A_460 = arith.cmpf ogt, %parallel_loop3A_450, %parallel_loop3A_459 : vector<16xf32>
        tpu.vector_store_idx %arg20[%parallel_loop3A_340], %broadcast_in_dim3A_17 masked %parallel_loop3A_460 : memref<10240xf32, #tpu.memory_space<vmem>>[vector<16xi32>], vector<16xf32>, vector<16xi1>
      } {sc.loop_unroll_factor = 2 : i64, sc.parallel_access}
    }
    %scan3A_41 = arith.constant 25 : i32
    %mul3A_42 = arith.constant 16 : i32
    %mul3A_43 = arith.muli %arg0, %mul3A_42 : i32
    %add3A_44 = arith.addi %mul3A_43, %arg1 : i32
    %mul3A_45 = arith.constant 81920 : i32
    %mul3A_46 = arith.muli %add3A_44, %mul3A_45 : i32
    %add3A_47 = arith.constant 0 : i32
    %add3A_48 = arith.addi %mul3A_46, %add3A_47 : i32
    "tpu.region"() ({
      %run_scoped3A = tpu.sem_alloc : memref<!tpu.dma_semaphore, #tpu.memory_space<semaphore_mem>>
      %dma_start3A_77 = tpu.memref_slice %arg8[%add3A_48] : memref<2621440xf32, #tpu.memory_space<hbm>> -> memref<10240xf32, #tpu.memory_space<hbm>>
      %dma_start3A_78 = tpu.memref_slice %arg8[%add3A_48] : memref<2621440xf32, #tpu.memory_space<hbm>> -> memref<10240xf32, #tpu.memory_space<hbm>>
      tpu.enqueue_dma source(%arg13 : memref<10240xf32, #tpu.memory_space<vmem>>) target(%dma_start3A_78 : memref<10240xf32, #tpu.memory_space<hbm>>) target_semaphore(%run_scoped3A : memref<!tpu.dma_semaphore, #tpu.memory_space<semaphore_mem>>)
      %dma_wait3A_79 = tpu.memref_slice %arg8[%add3A_48] : memref<2621440xf32, #tpu.memory_space<hbm>> -> memref<10240xf32, #tpu.memory_space<hbm>>
      %dma_wait3A_80 = tpu.memref_slice %arg8[%add3A_48] : memref<2621440xf32, #tpu.memory_space<hbm>> -> memref<10240xf32, #tpu.memory_space<hbm>>
      tpu.wait_dma2 semaphore(%run_scoped3A : memref<!tpu.dma_semaphore, #tpu.memory_space<semaphore_mem>>) src(%arg13 : memref<10240xf32, #tpu.memory_space<vmem>>) dst(%dma_wait3A_80 : memref<10240xf32, #tpu.memory_space<hbm>>)
      tpu.yield
    }) : () -> ()
    %mul3A_49 = arith.constant 81920 : i32
    %mul3A_50 = arith.muli %add3A_44, %mul3A_49 : i32
    %add3A_51 = arith.constant 40960 : i32
    %add3A_52 = arith.addi %mul3A_50, %add3A_51 : i32
    "tpu.region"() ({
      %run_scoped3A = tpu.sem_alloc : memref<!tpu.dma_semaphore, #tpu.memory_space<semaphore_mem>>
      %dma_start3A_77 = tpu.memref_slice %arg8[%add3A_52] : memref<2621440xf32, #tpu.memory_space<hbm>> -> memref<10240xf32, #tpu.memory_space<hbm>>
      %dma_start3A_78 = tpu.memref_slice %arg8[%add3A_52] : memref<2621440xf32, #tpu.memory_space<hbm>> -> memref<10240xf32, #tpu.memory_space<hbm>>
      tpu.enqueue_dma source(%arg17 : memref<10240xf32, #tpu.memory_space<vmem>>) target(%dma_start3A_78 : memref<10240xf32, #tpu.memory_space<hbm>>) target_semaphore(%run_scoped3A : memref<!tpu.dma_semaphore, #tpu.memory_space<semaphore_mem>>)
      %dma_wait3A_79 = tpu.memref_slice %arg8[%add3A_52] : memref<2621440xf32, #tpu.memory_space<hbm>> -> memref<10240xf32, #tpu.memory_space<hbm>>
      %dma_wait3A_80 = tpu.memref_slice %arg8[%add3A_52] : memref<2621440xf32, #tpu.memory_space<hbm>> -> memref<10240xf32, #tpu.memory_space<hbm>>
      tpu.wait_dma2 semaphore(%run_scoped3A : memref<!tpu.dma_semaphore, #tpu.memory_space<semaphore_mem>>) src(%arg17 : memref<10240xf32, #tpu.memory_space<vmem>>) dst(%dma_wait3A_80 : memref<10240xf32, #tpu.memory_space<hbm>>)
      tpu.yield
    }) : () -> ()
    %mul3A_53 = arith.constant 81920 : i32
    %mul3A_54 = arith.muli %add3A_44, %mul3A_53 : i32
    %add3A_55 = arith.constant 10240 : i32
    %add3A_56 = arith.addi %mul3A_54, %add3A_55 : i32
    "tpu.region"() ({
      %run_scoped3A = tpu.sem_alloc : memref<!tpu.dma_semaphore, #tpu.memory_space<semaphore_mem>>
      %dma_start3A_77 = tpu.memref_slice %arg8[%add3A_56] : memref<2621440xf32, #tpu.memory_space<hbm>> -> memref<10240xf32, #tpu.memory_space<hbm>>
      %dma_start3A_78 = tpu.memref_slice %arg8[%add3A_56] : memref<2621440xf32, #tpu.memory_space<hbm>> -> memref<10240xf32, #tpu.memory_space<hbm>>
      tpu.enqueue_dma source(%arg14 : memref<10240xf32, #tpu.memory_space<vmem>>) target(%dma_start3A_78 : memref<10240xf32, #tpu.memory_space<hbm>>) target_semaphore(%run_scoped3A : memref<!tpu.dma_semaphore, #tpu.memory_space<semaphore_mem>>)
      %dma_wait3A_79 = tpu.memref_slice %arg8[%add3A_56] : memref<2621440xf32, #tpu.memory_space<hbm>> -> memref<10240xf32, #tpu.memory_space<hbm>>
      %dma_wait3A_80 = tpu.memref_slice %arg8[%add3A_56] : memref<2621440xf32, #tpu.memory_space<hbm>> -> memref<10240xf32, #tpu.memory_space<hbm>>
      tpu.wait_dma2 semaphore(%run_scoped3A : memref<!tpu.dma_semaphore, #tpu.memory_space<semaphore_mem>>) src(%arg14 : memref<10240xf32, #tpu.memory_space<vmem>>) dst(%dma_wait3A_80 : memref<10240xf32, #tpu.memory_space<hbm>>)
      tpu.yield
    }) : () -> ()
    %mul3A_57 = arith.constant 81920 : i32
    %mul3A_58 = arith.muli %add3A_44, %mul3A_57 : i32
    %add3A_59 = arith.constant 51200 : i32
    %add3A_60 = arith.addi %mul3A_58, %add3A_59 : i32
    "tpu.region"() ({
      %run_scoped3A = tpu.sem_alloc : memref<!tpu.dma_semaphore, #tpu.memory_space<semaphore_mem>>
      %dma_start3A_77 = tpu.memref_slice %arg8[%add3A_60] : memref<2621440xf32, #tpu.memory_space<hbm>> -> memref<10240xf32, #tpu.memory_space<hbm>>
      %dma_start3A_78 = tpu.memref_slice %arg8[%add3A_60] : memref<2621440xf32, #tpu.memory_space<hbm>> -> memref<10240xf32, #tpu.memory_space<hbm>>
      tpu.enqueue_dma source(%arg18 : memref<10240xf32, #tpu.memory_space<vmem>>) target(%dma_start3A_78 : memref<10240xf32, #tpu.memory_space<hbm>>) target_semaphore(%run_scoped3A : memref<!tpu.dma_semaphore, #tpu.memory_space<semaphore_mem>>)
      %dma_wait3A_79 = tpu.memref_slice %arg8[%add3A_60] : memref<2621440xf32, #tpu.memory_space<hbm>> -> memref<10240xf32, #tpu.memory_space<hbm>>
      %dma_wait3A_80 = tpu.memref_slice %arg8[%add3A_60] : memref<2621440xf32, #tpu.memory_space<hbm>> -> memref<10240xf32, #tpu.memory_space<hbm>>
      tpu.wait_dma2 semaphore(%run_scoped3A : memref<!tpu.dma_semaphore, #tpu.memory_space<semaphore_mem>>) src(%arg18 : memref<10240xf32, #tpu.memory_space<vmem>>) dst(%dma_wait3A_80 : memref<10240xf32, #tpu.memory_space<hbm>>)
      tpu.yield
    }) : () -> ()
    %mul3A_61 = arith.constant 81920 : i32
    %mul3A_62 = arith.muli %add3A_44, %mul3A_61 : i32
    %add3A_63 = arith.constant 20480 : i32
    %add3A_64 = arith.addi %mul3A_62, %add3A_63 : i32
    "tpu.region"() ({
      %run_scoped3A = tpu.sem_alloc : memref<!tpu.dma_semaphore, #tpu.memory_space<semaphore_mem>>
      %dma_start3A_77 = tpu.memref_slice %arg8[%add3A_64] : memref<2621440xf32, #tpu.memory_space<hbm>> -> memref<10240xf32, #tpu.memory_space<hbm>>
      %dma_start3A_78 = tpu.memref_slice %arg8[%add3A_64] : memref<2621440xf32, #tpu.memory_space<hbm>> -> memref<10240xf32, #tpu.memory_space<hbm>>
      tpu.enqueue_dma source(%arg15 : memref<10240xf32, #tpu.memory_space<vmem>>) target(%dma_start3A_78 : memref<10240xf32, #tpu.memory_space<hbm>>) target_semaphore(%run_scoped3A : memref<!tpu.dma_semaphore, #tpu.memory_space<semaphore_mem>>)
      %dma_wait3A_79 = tpu.memref_slice %arg8[%add3A_64] : memref<2621440xf32, #tpu.memory_space<hbm>> -> memref<10240xf32, #tpu.memory_space<hbm>>
      %dma_wait3A_80 = tpu.memref_slice %arg8[%add3A_64] : memref<2621440xf32, #tpu.memory_space<hbm>> -> memref<10240xf32, #tpu.memory_space<hbm>>
      tpu.wait_dma2 semaphore(%run_scoped3A : memref<!tpu.dma_semaphore, #tpu.memory_space<semaphore_mem>>) src(%arg15 : memref<10240xf32, #tpu.memory_space<vmem>>) dst(%dma_wait3A_80 : memref<10240xf32, #tpu.memory_space<hbm>>)
      tpu.yield
    }) : () -> ()
    %mul3A_65 = arith.constant 81920 : i32
    %mul3A_66 = arith.muli %add3A_44, %mul3A_65 : i32
    %add3A_67 = arith.constant 61440 : i32
    %add3A_68 = arith.addi %mul3A_66, %add3A_67 : i32
    "tpu.region"() ({
      %run_scoped3A = tpu.sem_alloc : memref<!tpu.dma_semaphore, #tpu.memory_space<semaphore_mem>>
      %dma_start3A_77 = tpu.memref_slice %arg8[%add3A_68] : memref<2621440xf32, #tpu.memory_space<hbm>> -> memref<10240xf32, #tpu.memory_space<hbm>>
      %dma_start3A_78 = tpu.memref_slice %arg8[%add3A_68] : memref<2621440xf32, #tpu.memory_space<hbm>> -> memref<10240xf32, #tpu.memory_space<hbm>>
      tpu.enqueue_dma source(%arg19 : memref<10240xf32, #tpu.memory_space<vmem>>) target(%dma_start3A_78 : memref<10240xf32, #tpu.memory_space<hbm>>) target_semaphore(%run_scoped3A : memref<!tpu.dma_semaphore, #tpu.memory_space<semaphore_mem>>)
      %dma_wait3A_79 = tpu.memref_slice %arg8[%add3A_68] : memref<2621440xf32, #tpu.memory_space<hbm>> -> memref<10240xf32, #tpu.memory_space<hbm>>
      %dma_wait3A_80 = tpu.memref_slice %arg8[%add3A_68] : memref<2621440xf32, #tpu.memory_space<hbm>> -> memref<10240xf32, #tpu.memory_space<hbm>>
      tpu.wait_dma2 semaphore(%run_scoped3A : memref<!tpu.dma_semaphore, #tpu.memory_space<semaphore_mem>>) src(%arg19 : memref<10240xf32, #tpu.memory_space<vmem>>) dst(%dma_wait3A_80 : memref<10240xf32, #tpu.memory_space<hbm>>)
      tpu.yield
    }) : () -> ()
    %mul3A_69 = arith.constant 81920 : i32
    %mul3A_70 = arith.muli %add3A_44, %mul3A_69 : i32
    %add3A_71 = arith.constant 30720 : i32
    %add3A_72 = arith.addi %mul3A_70, %add3A_71 : i32
    "tpu.region"() ({
      %run_scoped3A = tpu.sem_alloc : memref<!tpu.dma_semaphore, #tpu.memory_space<semaphore_mem>>
      %dma_start3A_77 = tpu.memref_slice %arg8[%add3A_72] : memref<2621440xf32, #tpu.memory_space<hbm>> -> memref<10240xf32, #tpu.memory_space<hbm>>
      %dma_start3A_78 = tpu.memref_slice %arg8[%add3A_72] : memref<2621440xf32, #tpu.memory_space<hbm>> -> memref<10240xf32, #tpu.memory_space<hbm>>
      tpu.enqueue_dma source(%arg16 : memref<10240xf32, #tpu.memory_space<vmem>>) target(%dma_start3A_78 : memref<10240xf32, #tpu.memory_space<hbm>>) target_semaphore(%run_scoped3A : memref<!tpu.dma_semaphore, #tpu.memory_space<semaphore_mem>>)
      %dma_wait3A_79 = tpu.memref_slice %arg8[%add3A_72] : memref<2621440xf32, #tpu.memory_space<hbm>> -> memref<10240xf32, #tpu.memory_space<hbm>>
      %dma_wait3A_80 = tpu.memref_slice %arg8[%add3A_72] : memref<2621440xf32, #tpu.memory_space<hbm>> -> memref<10240xf32, #tpu.memory_space<hbm>>
      tpu.wait_dma2 semaphore(%run_scoped3A : memref<!tpu.dma_semaphore, #tpu.memory_space<semaphore_mem>>) src(%arg16 : memref<10240xf32, #tpu.memory_space<vmem>>) dst(%dma_wait3A_80 : memref<10240xf32, #tpu.memory_space<hbm>>)
      tpu.yield
    }) : () -> ()
    %mul3A_73 = arith.constant 81920 : i32
    %mul3A_74 = arith.muli %add3A_44, %mul3A_73 : i32
    %add3A_75 = arith.constant 71680 : i32
    %add3A_76 = arith.addi %mul3A_74, %add3A_75 : i32
    "tpu.region"() ({
      %run_scoped3A = tpu.sem_alloc : memref<!tpu.dma_semaphore, #tpu.memory_space<semaphore_mem>>
      %dma_start3A_77 = tpu.memref_slice %arg8[%add3A_76] : memref<2621440xf32, #tpu.memory_space<hbm>> -> memref<10240xf32, #tpu.memory_space<hbm>>
      %dma_start3A_78 = tpu.memref_slice %arg8[%add3A_76] : memref<2621440xf32, #tpu.memory_space<hbm>> -> memref<10240xf32, #tpu.memory_space<hbm>>
      tpu.enqueue_dma source(%arg20 : memref<10240xf32, #tpu.memory_space<vmem>>) target(%dma_start3A_78 : memref<10240xf32, #tpu.memory_space<hbm>>) target_semaphore(%run_scoped3A : memref<!tpu.dma_semaphore, #tpu.memory_space<semaphore_mem>>)
      %dma_wait3A_79 = tpu.memref_slice %arg8[%add3A_76] : memref<2621440xf32, #tpu.memory_space<hbm>> -> memref<10240xf32, #tpu.memory_space<hbm>>
      %dma_wait3A_80 = tpu.memref_slice %arg8[%add3A_76] : memref<2621440xf32, #tpu.memory_space<hbm>> -> memref<10240xf32, #tpu.memory_space<hbm>>
      tpu.wait_dma2 semaphore(%run_scoped3A : memref<!tpu.dma_semaphore, #tpu.memory_space<semaphore_mem>>) src(%arg20 : memref<10240xf32, #tpu.memory_space<vmem>>) dst(%dma_wait3A_80 : memref<10240xf32, #tpu.memory_space<hbm>>)
      tpu.yield
    }) : () -> ()
    return
  }
}

module attributes {stable_mosaic.version = 14 : i64} {
  func.func @_tc_body(%arg0: i32, %arg1: memref<1x32x8x2048xf32, #tpu.memory_space<vmem>>, %arg2: memref<4x2048xf32, #tpu.memory_space<vmem>>, %arg3: memref<4x2048xf32, #tpu.memory_space<vmem>>) attributes {dimension_semantics = [#tpu.dimension_semantics<arbitrary>], iteration_bounds = array<i64: 5>, scalar_prefetch = 0 : i64, scratch_operands = 0 : i64, tpu.core_type = #tpu.core_type<tc>, window_params = [{transform_indices = @transform_0, window_bounds = array<i64: 1, 32, 8, 2048>}, {transform_indices = @transform_1, window_bounds = array<i64: 4, 2048>}, {transform_indices = @transform_2, window_bounds = array<i64: 4, 2048>}]} {
    %get3A = arith.constant 0 : index
    %get3A_0 = arith.constant 0 : index
    %get3A_1 = arith.constant 0 : index
    %get3A_2 = arith.constant 0 : index
    %get3A_3 = vector.load %arg1[%get3A, %get3A_0, %get3A_1, %get3A_2] : memref<1x32x8x2048xf32, #tpu.memory_space<vmem>>, vector<1x1x8x2048xf32>
    %get3A_4 = vector.shape_cast %get3A_3 : vector<1x1x8x2048xf32> to vector<8x2048xf32>
    %get3A_5 = arith.constant 0 : index
    %get3A_6 = arith.constant 1 : index
    %get3A_7 = arith.constant 0 : index
    %get3A_8 = arith.constant 0 : index
    %get3A_9 = vector.load %arg1[%get3A_5, %get3A_6, %get3A_7, %get3A_8] : memref<1x32x8x2048xf32, #tpu.memory_space<vmem>>, vector<1x1x8x2048xf32>
    %get3A_10 = vector.shape_cast %get3A_9 : vector<1x1x8x2048xf32> to vector<8x2048xf32>
    %add3A = arith.addf %get3A_4, %get3A_10 : vector<8x2048xf32>
    %get3A_11 = arith.constant 0 : index
    %get3A_12 = arith.constant 2 : index
    %get3A_13 = arith.constant 0 : index
    %get3A_14 = arith.constant 0 : index
    %get3A_15 = vector.load %arg1[%get3A_11, %get3A_12, %get3A_13, %get3A_14] : memref<1x32x8x2048xf32, #tpu.memory_space<vmem>>, vector<1x1x8x2048xf32>
    %get3A_16 = vector.shape_cast %get3A_15 : vector<1x1x8x2048xf32> to vector<8x2048xf32>
    %add3A_17 = arith.addf %add3A, %get3A_16 : vector<8x2048xf32>
    %get3A_18 = arith.constant 0 : index
    %get3A_19 = arith.constant 3 : index
    %get3A_20 = arith.constant 0 : index
    %get3A_21 = arith.constant 0 : index
    %get3A_22 = vector.load %arg1[%get3A_18, %get3A_19, %get3A_20, %get3A_21] : memref<1x32x8x2048xf32, #tpu.memory_space<vmem>>, vector<1x1x8x2048xf32>
    %get3A_23 = vector.shape_cast %get3A_22 : vector<1x1x8x2048xf32> to vector<8x2048xf32>
    %add3A_24 = arith.addf %add3A_17, %get3A_23 : vector<8x2048xf32>
    %get3A_25 = arith.constant 0 : index
    %get3A_26 = arith.constant 4 : index
    %get3A_27 = arith.constant 0 : index
    %get3A_28 = arith.constant 0 : index
    %get3A_29 = vector.load %arg1[%get3A_25, %get3A_26, %get3A_27, %get3A_28] : memref<1x32x8x2048xf32, #tpu.memory_space<vmem>>, vector<1x1x8x2048xf32>
    %get3A_30 = vector.shape_cast %get3A_29 : vector<1x1x8x2048xf32> to vector<8x2048xf32>
    %add3A_31 = arith.addf %add3A_24, %get3A_30 : vector<8x2048xf32>
    %get3A_32 = arith.constant 0 : index
    %get3A_33 = arith.constant 5 : index
    %get3A_34 = arith.constant 0 : index
    %get3A_35 = arith.constant 0 : index
    %get3A_36 = vector.load %arg1[%get3A_32, %get3A_33, %get3A_34, %get3A_35] : memref<1x32x8x2048xf32, #tpu.memory_space<vmem>>, vector<1x1x8x2048xf32>
    %get3A_37 = vector.shape_cast %get3A_36 : vector<1x1x8x2048xf32> to vector<8x2048xf32>
    %add3A_38 = arith.addf %add3A_31, %get3A_37 : vector<8x2048xf32>
    %get3A_39 = arith.constant 0 : index
    %get3A_40 = arith.constant 6 : index
    %get3A_41 = arith.constant 0 : index
    %get3A_42 = arith.constant 0 : index
    %get3A_43 = vector.load %arg1[%get3A_39, %get3A_40, %get3A_41, %get3A_42] : memref<1x32x8x2048xf32, #tpu.memory_space<vmem>>, vector<1x1x8x2048xf32>
    %get3A_44 = vector.shape_cast %get3A_43 : vector<1x1x8x2048xf32> to vector<8x2048xf32>
    %add3A_45 = arith.addf %add3A_38, %get3A_44 : vector<8x2048xf32>
    %get3A_46 = arith.constant 0 : index
    %get3A_47 = arith.constant 7 : index
    %get3A_48 = arith.constant 0 : index
    %get3A_49 = arith.constant 0 : index
    %get3A_50 = vector.load %arg1[%get3A_46, %get3A_47, %get3A_48, %get3A_49] : memref<1x32x8x2048xf32, #tpu.memory_space<vmem>>, vector<1x1x8x2048xf32>
    %get3A_51 = vector.shape_cast %get3A_50 : vector<1x1x8x2048xf32> to vector<8x2048xf32>
    %add3A_52 = arith.addf %add3A_45, %get3A_51 : vector<8x2048xf32>
    %get3A_53 = arith.constant 0 : index
    %get3A_54 = arith.constant 8 : index
    %get3A_55 = arith.constant 0 : index
    %get3A_56 = arith.constant 0 : index
    %get3A_57 = vector.load %arg1[%get3A_53, %get3A_54, %get3A_55, %get3A_56] : memref<1x32x8x2048xf32, #tpu.memory_space<vmem>>, vector<1x1x8x2048xf32>
    %get3A_58 = vector.shape_cast %get3A_57 : vector<1x1x8x2048xf32> to vector<8x2048xf32>
    %add3A_59 = arith.addf %add3A_52, %get3A_58 : vector<8x2048xf32>
    %get3A_60 = arith.constant 0 : index
    %get3A_61 = arith.constant 9 : index
    %get3A_62 = arith.constant 0 : index
    %get3A_63 = arith.constant 0 : index
    %get3A_64 = vector.load %arg1[%get3A_60, %get3A_61, %get3A_62, %get3A_63] : memref<1x32x8x2048xf32, #tpu.memory_space<vmem>>, vector<1x1x8x2048xf32>
    %get3A_65 = vector.shape_cast %get3A_64 : vector<1x1x8x2048xf32> to vector<8x2048xf32>
    %add3A_66 = arith.addf %add3A_59, %get3A_65 : vector<8x2048xf32>
    %get3A_67 = arith.constant 0 : index
    %get3A_68 = arith.constant 10 : index
    %get3A_69 = arith.constant 0 : index
    %get3A_70 = arith.constant 0 : index
    %get3A_71 = vector.load %arg1[%get3A_67, %get3A_68, %get3A_69, %get3A_70] : memref<1x32x8x2048xf32, #tpu.memory_space<vmem>>, vector<1x1x8x2048xf32>
    %get3A_72 = vector.shape_cast %get3A_71 : vector<1x1x8x2048xf32> to vector<8x2048xf32>
    %add3A_73 = arith.addf %add3A_66, %get3A_72 : vector<8x2048xf32>
    %get3A_74 = arith.constant 0 : index
    %get3A_75 = arith.constant 11 : index
    %get3A_76 = arith.constant 0 : index
    %get3A_77 = arith.constant 0 : index
    %get3A_78 = vector.load %arg1[%get3A_74, %get3A_75, %get3A_76, %get3A_77] : memref<1x32x8x2048xf32, #tpu.memory_space<vmem>>, vector<1x1x8x2048xf32>
    %get3A_79 = vector.shape_cast %get3A_78 : vector<1x1x8x2048xf32> to vector<8x2048xf32>
    %add3A_80 = arith.addf %add3A_73, %get3A_79 : vector<8x2048xf32>
    %get3A_81 = arith.constant 0 : index
    %get3A_82 = arith.constant 12 : index
    %get3A_83 = arith.constant 0 : index
    %get3A_84 = arith.constant 0 : index
    %get3A_85 = vector.load %arg1[%get3A_81, %get3A_82, %get3A_83, %get3A_84] : memref<1x32x8x2048xf32, #tpu.memory_space<vmem>>, vector<1x1x8x2048xf32>
    %get3A_86 = vector.shape_cast %get3A_85 : vector<1x1x8x2048xf32> to vector<8x2048xf32>
    %add3A_87 = arith.addf %add3A_80, %get3A_86 : vector<8x2048xf32>
    %get3A_88 = arith.constant 0 : index
    %get3A_89 = arith.constant 13 : index
    %get3A_90 = arith.constant 0 : index
    %get3A_91 = arith.constant 0 : index
    %get3A_92 = vector.load %arg1[%get3A_88, %get3A_89, %get3A_90, %get3A_91] : memref<1x32x8x2048xf32, #tpu.memory_space<vmem>>, vector<1x1x8x2048xf32>
    %get3A_93 = vector.shape_cast %get3A_92 : vector<1x1x8x2048xf32> to vector<8x2048xf32>
    %add3A_94 = arith.addf %add3A_87, %get3A_93 : vector<8x2048xf32>
    %get3A_95 = arith.constant 0 : index
    %get3A_96 = arith.constant 14 : index
    %get3A_97 = arith.constant 0 : index
    %get3A_98 = arith.constant 0 : index
    %get3A_99 = vector.load %arg1[%get3A_95, %get3A_96, %get3A_97, %get3A_98] : memref<1x32x8x2048xf32, #tpu.memory_space<vmem>>, vector<1x1x8x2048xf32>
    %get3A_100 = vector.shape_cast %get3A_99 : vector<1x1x8x2048xf32> to vector<8x2048xf32>
    %add3A_101 = arith.addf %add3A_94, %get3A_100 : vector<8x2048xf32>
    %get3A_102 = arith.constant 0 : index
    %get3A_103 = arith.constant 15 : index
    %get3A_104 = arith.constant 0 : index
    %get3A_105 = arith.constant 0 : index
    %get3A_106 = vector.load %arg1[%get3A_102, %get3A_103, %get3A_104, %get3A_105] : memref<1x32x8x2048xf32, #tpu.memory_space<vmem>>, vector<1x1x8x2048xf32>
    %get3A_107 = vector.shape_cast %get3A_106 : vector<1x1x8x2048xf32> to vector<8x2048xf32>
    %add3A_108 = arith.addf %add3A_101, %get3A_107 : vector<8x2048xf32>
    %get3A_109 = arith.constant 0 : index
    %get3A_110 = arith.constant 16 : index
    %get3A_111 = arith.constant 0 : index
    %get3A_112 = arith.constant 0 : index
    %get3A_113 = vector.load %arg1[%get3A_109, %get3A_110, %get3A_111, %get3A_112] : memref<1x32x8x2048xf32, #tpu.memory_space<vmem>>, vector<1x1x8x2048xf32>
    %get3A_114 = vector.shape_cast %get3A_113 : vector<1x1x8x2048xf32> to vector<8x2048xf32>
    %add3A_115 = arith.addf %add3A_108, %get3A_114 : vector<8x2048xf32>
    %get3A_116 = arith.constant 0 : index
    %get3A_117 = arith.constant 17 : index
    %get3A_118 = arith.constant 0 : index
    %get3A_119 = arith.constant 0 : index
    %get3A_120 = vector.load %arg1[%get3A_116, %get3A_117, %get3A_118, %get3A_119] : memref<1x32x8x2048xf32, #tpu.memory_space<vmem>>, vector<1x1x8x2048xf32>
    %get3A_121 = vector.shape_cast %get3A_120 : vector<1x1x8x2048xf32> to vector<8x2048xf32>
    %add3A_122 = arith.addf %add3A_115, %get3A_121 : vector<8x2048xf32>
    %get3A_123 = arith.constant 0 : index
    %get3A_124 = arith.constant 18 : index
    %get3A_125 = arith.constant 0 : index
    %get3A_126 = arith.constant 0 : index
    %get3A_127 = vector.load %arg1[%get3A_123, %get3A_124, %get3A_125, %get3A_126] : memref<1x32x8x2048xf32, #tpu.memory_space<vmem>>, vector<1x1x8x2048xf32>
    %get3A_128 = vector.shape_cast %get3A_127 : vector<1x1x8x2048xf32> to vector<8x2048xf32>
    %add3A_129 = arith.addf %add3A_122, %get3A_128 : vector<8x2048xf32>
    %get3A_130 = arith.constant 0 : index
    %get3A_131 = arith.constant 19 : index
    %get3A_132 = arith.constant 0 : index
    %get3A_133 = arith.constant 0 : index
    %get3A_134 = vector.load %arg1[%get3A_130, %get3A_131, %get3A_132, %get3A_133] : memref<1x32x8x2048xf32, #tpu.memory_space<vmem>>, vector<1x1x8x2048xf32>
    %get3A_135 = vector.shape_cast %get3A_134 : vector<1x1x8x2048xf32> to vector<8x2048xf32>
    %add3A_136 = arith.addf %add3A_129, %get3A_135 : vector<8x2048xf32>
    %get3A_137 = arith.constant 0 : index
    %get3A_138 = arith.constant 20 : index
    %get3A_139 = arith.constant 0 : index
    %get3A_140 = arith.constant 0 : index
    %get3A_141 = vector.load %arg1[%get3A_137, %get3A_138, %get3A_139, %get3A_140] : memref<1x32x8x2048xf32, #tpu.memory_space<vmem>>, vector<1x1x8x2048xf32>
    %get3A_142 = vector.shape_cast %get3A_141 : vector<1x1x8x2048xf32> to vector<8x2048xf32>
    %add3A_143 = arith.addf %add3A_136, %get3A_142 : vector<8x2048xf32>
    %get3A_144 = arith.constant 0 : index
    %get3A_145 = arith.constant 21 : index
    %get3A_146 = arith.constant 0 : index
    %get3A_147 = arith.constant 0 : index
    %get3A_148 = vector.load %arg1[%get3A_144, %get3A_145, %get3A_146, %get3A_147] : memref<1x32x8x2048xf32, #tpu.memory_space<vmem>>, vector<1x1x8x2048xf32>
    %get3A_149 = vector.shape_cast %get3A_148 : vector<1x1x8x2048xf32> to vector<8x2048xf32>
    %add3A_150 = arith.addf %add3A_143, %get3A_149 : vector<8x2048xf32>
    %get3A_151 = arith.constant 0 : index
    %get3A_152 = arith.constant 22 : index
    %get3A_153 = arith.constant 0 : index
    %get3A_154 = arith.constant 0 : index
    %get3A_155 = vector.load %arg1[%get3A_151, %get3A_152, %get3A_153, %get3A_154] : memref<1x32x8x2048xf32, #tpu.memory_space<vmem>>, vector<1x1x8x2048xf32>
    %get3A_156 = vector.shape_cast %get3A_155 : vector<1x1x8x2048xf32> to vector<8x2048xf32>
    %add3A_157 = arith.addf %add3A_150, %get3A_156 : vector<8x2048xf32>
    %get3A_158 = arith.constant 0 : index
    %get3A_159 = arith.constant 23 : index
    %get3A_160 = arith.constant 0 : index
    %get3A_161 = arith.constant 0 : index
    %get3A_162 = vector.load %arg1[%get3A_158, %get3A_159, %get3A_160, %get3A_161] : memref<1x32x8x2048xf32, #tpu.memory_space<vmem>>, vector<1x1x8x2048xf32>
    %get3A_163 = vector.shape_cast %get3A_162 : vector<1x1x8x2048xf32> to vector<8x2048xf32>
    %add3A_164 = arith.addf %add3A_157, %get3A_163 : vector<8x2048xf32>
    %get3A_165 = arith.constant 0 : index
    %get3A_166 = arith.constant 24 : index
    %get3A_167 = arith.constant 0 : index
    %get3A_168 = arith.constant 0 : index
    %get3A_169 = vector.load %arg1[%get3A_165, %get3A_166, %get3A_167, %get3A_168] : memref<1x32x8x2048xf32, #tpu.memory_space<vmem>>, vector<1x1x8x2048xf32>
    %get3A_170 = vector.shape_cast %get3A_169 : vector<1x1x8x2048xf32> to vector<8x2048xf32>
    %add3A_171 = arith.addf %add3A_164, %get3A_170 : vector<8x2048xf32>
    %get3A_172 = arith.constant 0 : index
    %get3A_173 = arith.constant 25 : index
    %get3A_174 = arith.constant 0 : index
    %get3A_175 = arith.constant 0 : index
    %get3A_176 = vector.load %arg1[%get3A_172, %get3A_173, %get3A_174, %get3A_175] : memref<1x32x8x2048xf32, #tpu.memory_space<vmem>>, vector<1x1x8x2048xf32>
    %get3A_177 = vector.shape_cast %get3A_176 : vector<1x1x8x2048xf32> to vector<8x2048xf32>
    %add3A_178 = arith.addf %add3A_171, %get3A_177 : vector<8x2048xf32>
    %get3A_179 = arith.constant 0 : index
    %get3A_180 = arith.constant 26 : index
    %get3A_181 = arith.constant 0 : index
    %get3A_182 = arith.constant 0 : index
    %get3A_183 = vector.load %arg1[%get3A_179, %get3A_180, %get3A_181, %get3A_182] : memref<1x32x8x2048xf32, #tpu.memory_space<vmem>>, vector<1x1x8x2048xf32>
    %get3A_184 = vector.shape_cast %get3A_183 : vector<1x1x8x2048xf32> to vector<8x2048xf32>
    %add3A_185 = arith.addf %add3A_178, %get3A_184 : vector<8x2048xf32>
    %get3A_186 = arith.constant 0 : index
    %get3A_187 = arith.constant 27 : index
    %get3A_188 = arith.constant 0 : index
    %get3A_189 = arith.constant 0 : index
    %get3A_190 = vector.load %arg1[%get3A_186, %get3A_187, %get3A_188, %get3A_189] : memref<1x32x8x2048xf32, #tpu.memory_space<vmem>>, vector<1x1x8x2048xf32>
    %get3A_191 = vector.shape_cast %get3A_190 : vector<1x1x8x2048xf32> to vector<8x2048xf32>
    %add3A_192 = arith.addf %add3A_185, %get3A_191 : vector<8x2048xf32>
    %get3A_193 = arith.constant 0 : index
    %get3A_194 = arith.constant 28 : index
    %get3A_195 = arith.constant 0 : index
    %get3A_196 = arith.constant 0 : index
    %get3A_197 = vector.load %arg1[%get3A_193, %get3A_194, %get3A_195, %get3A_196] : memref<1x32x8x2048xf32, #tpu.memory_space<vmem>>, vector<1x1x8x2048xf32>
    %get3A_198 = vector.shape_cast %get3A_197 : vector<1x1x8x2048xf32> to vector<8x2048xf32>
    %add3A_199 = arith.addf %add3A_192, %get3A_198 : vector<8x2048xf32>
    %get3A_200 = arith.constant 0 : index
    %get3A_201 = arith.constant 29 : index
    %get3A_202 = arith.constant 0 : index
    %get3A_203 = arith.constant 0 : index
    %get3A_204 = vector.load %arg1[%get3A_200, %get3A_201, %get3A_202, %get3A_203] : memref<1x32x8x2048xf32, #tpu.memory_space<vmem>>, vector<1x1x8x2048xf32>
    %get3A_205 = vector.shape_cast %get3A_204 : vector<1x1x8x2048xf32> to vector<8x2048xf32>
    %add3A_206 = arith.addf %add3A_199, %get3A_205 : vector<8x2048xf32>
    %get3A_207 = arith.constant 0 : index
    %get3A_208 = arith.constant 30 : index
    %get3A_209 = arith.constant 0 : index
    %get3A_210 = arith.constant 0 : index
    %get3A_211 = vector.load %arg1[%get3A_207, %get3A_208, %get3A_209, %get3A_210] : memref<1x32x8x2048xf32, #tpu.memory_space<vmem>>, vector<1x1x8x2048xf32>
    %get3A_212 = vector.shape_cast %get3A_211 : vector<1x1x8x2048xf32> to vector<8x2048xf32>
    %add3A_213 = arith.addf %add3A_206, %get3A_212 : vector<8x2048xf32>
    %get3A_214 = arith.constant 0 : index
    %get3A_215 = arith.constant 31 : index
    %get3A_216 = arith.constant 0 : index
    %get3A_217 = arith.constant 0 : index
    %get3A_218 = vector.load %arg1[%get3A_214, %get3A_215, %get3A_216, %get3A_217] : memref<1x32x8x2048xf32, #tpu.memory_space<vmem>>, vector<1x1x8x2048xf32>
    %get3A_219 = vector.shape_cast %get3A_218 : vector<1x1x8x2048xf32> to vector<8x2048xf32>
    %add3A_220 = arith.addf %add3A_213, %get3A_219 : vector<8x2048xf32>
    %slice3A = vector.extract_strided_slice %add3A_220 {offsets = [4, 0], sizes = [1, 2048], strides = [1, 1]} : vector<8x2048xf32> to vector<1x2048xf32>
    %squeeze3A = vector.shape_cast %slice3A : vector<1x2048xf32> to vector<2048xf32>
    %gt3A = arith.constant 0.000000e+00 : f32
    %gt3A_221 = vector.broadcast %gt3A : f32 to vector<2048xf32>
    %gt3A_222 = arith.cmpf ogt, %squeeze3A, %gt3A_221 : vector<2048xf32>
    %convert_element_type3A = arith.extui %gt3A_222 : vector<2048xi1> to vector<2048xi32>
    %convert_element_type3A_223 = arith.sitofp %convert_element_type3A : vector<2048xi32> to vector<2048xf32>
    %swap3A = arith.constant 0 : index
    %swap3A_224 = arith.constant 0 : index
    %swap3A_225 = vector.load %arg2[%swap3A, %swap3A_224] : memref<4x2048xf32, #tpu.memory_space<vmem>>, vector<1x2048xf32>
    %swap3A_226 = vector.shape_cast %swap3A_225 : vector<1x2048xf32> to vector<2048xf32>
    %swap3A_227 = vector.shape_cast %convert_element_type3A_223 : vector<2048xf32> to vector<1x2048xf32>
    tpu.vector_store %arg2[%swap3A, %swap3A_224], %swap3A_227 {strides = array<i32>} : memref<4x2048xf32, #tpu.memory_space<vmem>>, vector<1x2048xf32>,
    %slice3A_228 = vector.extract_strided_slice %add3A_220 {offsets = [0, 0], sizes = [1, 2048], strides = [1, 1]} : vector<8x2048xf32> to vector<1x2048xf32>
    %squeeze3A_229 = vector.shape_cast %slice3A_228 : vector<1x2048xf32> to vector<2048xf32>
    %sub3A = arith.constant 1.000000e+00 : f32
    %sub3A_230 = vector.broadcast %sub3A : f32 to vector<2048xf32>
    %sub3A_231 = arith.subf %sub3A_230, %squeeze3A_229 : vector<2048xf32>
    %abs3A = math.absf %sub3A_231 : vector<2048xf32>
    %swap3A_232 = arith.constant 0 : index
    %swap3A_233 = arith.constant 0 : index
    %swap3A_234 = vector.load %arg3[%swap3A_232, %swap3A_233] : memref<4x2048xf32, #tpu.memory_space<vmem>>, vector<1x2048xf32>
    %swap3A_235 = vector.shape_cast %swap3A_234 : vector<1x2048xf32> to vector<2048xf32>
    %swap3A_236 = vector.shape_cast %abs3A : vector<2048xf32> to vector<1x2048xf32>
    tpu.vector_store %arg3[%swap3A_232, %swap3A_233], %swap3A_236 {strides = array<i32>} : memref<4x2048xf32, #tpu.memory_space<vmem>>, vector<1x2048xf32>,
    %slice3A_237 = vector.extract_strided_slice %add3A_220 {offsets = [5, 0], sizes = [1, 2048], strides = [1, 1]} : vector<8x2048xf32> to vector<1x2048xf32>
    %squeeze3A_238 = vector.shape_cast %slice3A_237 : vector<1x2048xf32> to vector<2048xf32>
    %gt3A_239 = arith.constant 0.000000e+00 : f32
    %gt3A_240 = vector.broadcast %gt3A_239 : f32 to vector<2048xf32>
    %gt3A_241 = arith.cmpf ogt, %squeeze3A_238, %gt3A_240 : vector<2048xf32>
    %convert_element_type3A_242 = arith.extui %gt3A_241 : vector<2048xi1> to vector<2048xi32>
    %convert_element_type3A_243 = arith.sitofp %convert_element_type3A_242 : vector<2048xi32> to vector<2048xf32>
    %swap3A_244 = arith.constant 1 : index
    %swap3A_245 = arith.constant 0 : index
    %swap3A_246 = vector.load %arg2[%swap3A_244, %swap3A_245] : memref<4x2048xf32, #tpu.memory_space<vmem>>, vector<1x2048xf32>
    %swap3A_247 = vector.shape_cast %swap3A_246 : vector<1x2048xf32> to vector<2048xf32>
    %swap3A_248 = vector.shape_cast %convert_element_type3A_243 : vector<2048xf32> to vector<1x2048xf32>
    tpu.vector_store %arg2[%swap3A_244, %swap3A_245], %swap3A_248 {strides = array<i32>} : memref<4x2048xf32, #tpu.memory_space<vmem>>, vector<1x2048xf32>,
    %slice3A_249 = vector.extract_strided_slice %add3A_220 {offsets = [1, 0], sizes = [1, 2048], strides = [1, 1]} : vector<8x2048xf32> to vector<1x2048xf32>
    %squeeze3A_250 = vector.shape_cast %slice3A_249 : vector<1x2048xf32> to vector<2048xf32>
    %sub3A_251 = arith.constant 1.000000e+00 : f32
    %sub3A_252 = vector.broadcast %sub3A_251 : f32 to vector<2048xf32>
    %sub3A_253 = arith.subf %sub3A_252, %squeeze3A_250 : vector<2048xf32>
    %abs3A_254 = math.absf %sub3A_253 : vector<2048xf32>
    %swap3A_255 = arith.constant 1 : index
    %swap3A_256 = arith.constant 0 : index
    %swap3A_257 = vector.load %arg3[%swap3A_255, %swap3A_256] : memref<4x2048xf32, #tpu.memory_space<vmem>>, vector<1x2048xf32>
    %swap3A_258 = vector.shape_cast %swap3A_257 : vector<1x2048xf32> to vector<2048xf32>
    %swap3A_259 = vector.shape_cast %abs3A_254 : vector<2048xf32> to vector<1x2048xf32>
    tpu.vector_store %arg3[%swap3A_255, %swap3A_256], %swap3A_259 {strides = array<i32>} : memref<4x2048xf32, #tpu.memory_space<vmem>>, vector<1x2048xf32>,
    %slice3A_260 = vector.extract_strided_slice %add3A_220 {offsets = [6, 0], sizes = [1, 2048], strides = [1, 1]} : vector<8x2048xf32> to vector<1x2048xf32>
    %squeeze3A_261 = vector.shape_cast %slice3A_260 : vector<1x2048xf32> to vector<2048xf32>
    %gt3A_262 = arith.constant 0.000000e+00 : f32
    %gt3A_263 = vector.broadcast %gt3A_262 : f32 to vector<2048xf32>
    %gt3A_264 = arith.cmpf ogt, %squeeze3A_261, %gt3A_263 : vector<2048xf32>
    %convert_element_type3A_265 = arith.extui %gt3A_264 : vector<2048xi1> to vector<2048xi32>
    %convert_element_type3A_266 = arith.sitofp %convert_element_type3A_265 : vector<2048xi32> to vector<2048xf32>
    %swap3A_267 = arith.constant 2 : index
    %swap3A_268 = arith.constant 0 : index
    %swap3A_269 = vector.load %arg2[%swap3A_267, %swap3A_268] : memref<4x2048xf32, #tpu.memory_space<vmem>>, vector<1x2048xf32>
    %swap3A_270 = vector.shape_cast %swap3A_269 : vector<1x2048xf32> to vector<2048xf32>
    %swap3A_271 = vector.shape_cast %convert_element_type3A_266 : vector<2048xf32> to vector<1x2048xf32>
    tpu.vector_store %arg2[%swap3A_267, %swap3A_268], %swap3A_271 {strides = array<i32>} : memref<4x2048xf32, #tpu.memory_space<vmem>>, vector<1x2048xf32>,
    %slice3A_272 = vector.extract_strided_slice %add3A_220 {offsets = [2, 0], sizes = [1, 2048], strides = [1, 1]} : vector<8x2048xf32> to vector<1x2048xf32>
    %squeeze3A_273 = vector.shape_cast %slice3A_272 : vector<1x2048xf32> to vector<2048xf32>
    %sub3A_274 = arith.constant 1.000000e+00 : f32
    %sub3A_275 = vector.broadcast %sub3A_274 : f32 to vector<2048xf32>
    %sub3A_276 = arith.subf %sub3A_275, %squeeze3A_273 : vector<2048xf32>
    %abs3A_277 = math.absf %sub3A_276 : vector<2048xf32>
    %swap3A_278 = arith.constant 2 : index
    %swap3A_279 = arith.constant 0 : index
    %swap3A_280 = vector.load %arg3[%swap3A_278, %swap3A_279] : memref<4x2048xf32, #tpu.memory_space<vmem>>, vector<1x2048xf32>
    %swap3A_281 = vector.shape_cast %swap3A_280 : vector<1x2048xf32> to vector<2048xf32>
    %swap3A_282 = vector.shape_cast %abs3A_277 : vector<2048xf32> to vector<1x2048xf32>
    tpu.vector_store %arg3[%swap3A_278, %swap3A_279], %swap3A_282 {strides = array<i32>} : memref<4x2048xf32, #tpu.memory_space<vmem>>, vector<1x2048xf32>,
    %slice3A_283 = vector.extract_strided_slice %add3A_220 {offsets = [7, 0], sizes = [1, 2048], strides = [1, 1]} : vector<8x2048xf32> to vector<1x2048xf32>
    %squeeze3A_284 = vector.shape_cast %slice3A_283 : vector<1x2048xf32> to vector<2048xf32>
    %gt3A_285 = arith.constant 0.000000e+00 : f32
    %gt3A_286 = vector.broadcast %gt3A_285 : f32 to vector<2048xf32>
    %gt3A_287 = arith.cmpf ogt, %squeeze3A_284, %gt3A_286 : vector<2048xf32>
    %convert_element_type3A_288 = arith.extui %gt3A_287 : vector<2048xi1> to vector<2048xi32>
    %convert_element_type3A_289 = arith.sitofp %convert_element_type3A_288 : vector<2048xi32> to vector<2048xf32>
    %swap3A_290 = arith.constant 3 : index
    %swap3A_291 = arith.constant 0 : index
    %swap3A_292 = vector.load %arg2[%swap3A_290, %swap3A_291] : memref<4x2048xf32, #tpu.memory_space<vmem>>, vector<1x2048xf32>
    %swap3A_293 = vector.shape_cast %swap3A_292 : vector<1x2048xf32> to vector<2048xf32>
    %swap3A_294 = vector.shape_cast %convert_element_type3A_289 : vector<2048xf32> to vector<1x2048xf32>
    tpu.vector_store %arg2[%swap3A_290, %swap3A_291], %swap3A_294 {strides = array<i32>} : memref<4x2048xf32, #tpu.memory_space<vmem>>, vector<1x2048xf32>,
    %slice3A_295 = vector.extract_strided_slice %add3A_220 {offsets = [3, 0], sizes = [1, 2048], strides = [1, 1]} : vector<8x2048xf32> to vector<1x2048xf32>
    %squeeze3A_296 = vector.shape_cast %slice3A_295 : vector<1x2048xf32> to vector<2048xf32>
    %sub3A_297 = arith.constant 1.000000e+00 : f32
    %sub3A_298 = vector.broadcast %sub3A_297 : f32 to vector<2048xf32>
    %sub3A_299 = arith.subf %sub3A_298, %squeeze3A_296 : vector<2048xf32>
    %abs3A_300 = math.absf %sub3A_299 : vector<2048xf32>
    %swap3A_301 = arith.constant 3 : index
    %swap3A_302 = arith.constant 0 : index
    %swap3A_303 = vector.load %arg3[%swap3A_301, %swap3A_302] : memref<4x2048xf32, #tpu.memory_space<vmem>>, vector<1x2048xf32>
    %swap3A_304 = vector.shape_cast %swap3A_303 : vector<1x2048xf32> to vector<2048xf32>
    %swap3A_305 = vector.shape_cast %abs3A_300 : vector<2048xf32> to vector<1x2048xf32>
    tpu.vector_store %arg3[%swap3A_301, %swap3A_302], %swap3A_305 {strides = array<i32>} : memref<4x2048xf32, #tpu.memory_space<vmem>>, vector<1x2048xf32>,
    return
  }
  func.func @transform_0(%arg0: i32) -> (i32, i32, i32, i32) {
    %c0_i32 = arith.constant 0 : i32
    %c0_i32_0 = arith.constant 0 : i32
    %c0_i32_1 = arith.constant 0 : i32
    %c0_i32_2 = arith.constant 0 : i32
    return %c0_i32, %c0_i32_0, %c0_i32_1, %arg0 : i32, i32, i32, i32
  }
  func.func @transform_1(%arg0: i32) -> (i32, i32) {
    %c0_i32 = arith.constant 0 : i32
    %c0_i32_0 = arith.constant 0 : i32
    return %c0_i32, %arg0 : i32, i32
  }
  func.func @transform_2(%arg0: i32) -> (i32, i32) {
    %c0_i32 = arith.constant 0 : i32
    %c0_i32_0 = arith.constant 0 : i32
    return %c0_i32, %arg0 : i32, i32
  }
}

</mosaic_0001>

<sc_bundles>
// kernel: kernel.4.cloned.1.call-start
scs
__scs_entry_jumppad:
0x0: {  	(pc) =	sbr.rel $0x88, $3  }
0x1: {  	(tag) =	ssettag $0x0;
	lr =	simm.s32 $0x1  }
0x2: {  	[smem:$0x3F9C] =	sst lr;
	_ =	strace $0xD0000000  }
0x3: {  	_ = 	snop  }
0x4: {  	_ = 	snop  }
0x5: {  	_ = 	snop  }
0x6: {  	_ = 	snop  }
0x7: {  	_ = 	snop  }
__scs_overlays_trampoline_lowered:
0x8: {  	[smem:$0x3FAB] =	sst s0  }
0x9: {  	[smem:$0x3FAC] =	sst s1  }
0xa: {  	[smem:$0x3FAD] =	sst s2  }
0xb: {  	[smem:$0x3FAE] =	sst s3  }
0xc: {  	[smem:$0x3FAF] =	sst s4  }
0xd: {  	[smem:$0x3FB0] =	sst s5  }
0xe: {  	[smem:$0x3FB1] =	sst s6  }
0xf: {  	[smem:$0x3FB2] =	sst s7  }
0x10: {  	[smem:$0x3FB3] =	sst s8  }
0x11: {  	[smem:$0x3FB4] =	sst s9;
	s0 =	simm.s32 @!p0 $0x0  }
0x12: {  	s1 =	sld [smem:$0x3F9A];
	s0 =	simm.s32 @p0 $0x1  }
0x13: {  	[smem:$0x3FB5] =	sst s0;
	s0 =	simm.s32 @!p1 $0x0  }
0x14: {  	s2 =	sld [smem:$0x3F99];
	s0 =	simm.s32 @p1 $0x1  }
0x15: {  	[smem:$0x3FB6] =	sst s0;
	s0 =	simm.s32 @!p2 $0x0  }
0x16: {  	s3 =	sld [smem:$0x3FDB];
	s0 =	simm.s32 @p2 $0x1  }
0x17: {  	s4 =	simm.s32 $0x1BF5;
	[smem:$0x3FB8] =	sst s0  }
0x18: {  	s0 =	sld [smem:$0x3F9B];
	_ =	swait.ge [sflag:s4], $0x0  }
0x19: {  	s7 =	sld [smem:$0x3F9C]  }
0x1a: {  	s8 =	sadd.s32 $0xFFFFE003, lr  }
0x1b: {  	s9 =	sadd.s32 $0xFFFFFEF7, lr;
	s5 =	simm.s32 $0xFFFFFFFF;
	p2 =	slt.u32 s8, $0xFFFFF086  }
0x1c: {  	p1 =	slt.u32 s9, $0xF7A;
	s5 =	simm.s32 @!p2 $0x0  }
0x1d: {  	s5 =	simm.s32 @p1 $0x1;
	p0 =	seq.s32 s7, s2  }
0x1e: {  	s7 =	smul.u32 @!p0 $0xF7A, s2;
	p2 =	seq.s32 @!p0 s5, $0x0  }
0x1f: {  	s9 =	smul.u32 $0xF7A, s1;
	s8 =	simm.s32 @!p0 $0x1BF5;
	p2 =	por !p2, p0  }
0x20: {  	[sflag:s8] =	ssyncset.s32 @!p0 $0xFFFFF086;
	s6 =	sadd.s32 @!p0 s3, s7;
	s7 =	simm.s32 @!p0 $0x108  }
0x21: {  	s3 =	sadd.s32 s3, s9;
	s6 =	sadd.s32 @!p0 $0x88, s6;
	s7 =	simm.s32 @p2 $0x1082  }
0x22: {  	[simem:s7], [sflag:s8] =	dma.local @!p0 [hbm:s6], $0xF7A  }
0x23: {  	s9 =	sor.u32 $0xD0000000, s2;
	s6 =	simm.s32 $0x108;
	_ =	swait.ge @!p0 [sflag:s8], $0x0  }
0x24: {  	s3 =	sadd.s32 $0x88, s3;
	s6 =	simm.s32 @!p1 $0x1082;
	[sflag:s4] =	ssyncset.s32 $0xFFFFF086  }
0x25: {  	[simem:s6], [sflag:s4] =	dma.local [hbm:s3], $0xF7A  }
0x26: {  	[smem:$0x3F9C] =	sst s1;
	(tag) =	ssettag s2;
	_ =	strace s9  }
0x27: {  	s1 =	sld [smem:$0x3FAC]  }
0x28: {  	s2 =	sld [smem:$0x3FAD]  }
0x29: {  	s4 =	sld [smem:$0x3FAF]  }
0x2a: {  	p0 =	seq.s32 s5, $0x0;
	s5 =	sld [smem:$0x3FB0]  }
0x2b: {  	s6 =	sld [smem:$0x3FB1]  }
0x2c: {  	s7 =	sld [smem:$0x3FB2]  }
0x2d: {  	s3 =	simm.s32 $0x108;
	s8 =	sld [smem:$0x3FB3]  }
0x2e: {  	s3 =	simm.s32 @!p0 $0x1082;
	s9 =	sld [smem:$0x3FB4]  }
0x2f: {  	lr =	sadd.s32 s0, s3;
	s0 =	sld [smem:$0x3FAB]  }
0x30: {  	s3 =	sld [smem:$0x3FAE]  }
0x31: {  	[smem:$0x3FB7] =	sst s10  }
0x32: {  	s10 =	sld [smem:$0x3FB5];
	_ =	sdelay $0x3  }
0x33: {  	p0 =	seq.s32 s10, $0x1;
	s10 =	sld [smem:$0x3FB7];
	_ =	sdelay $0x3  }
0x34: {  	[smem:$0x3FB7] =	sst s10  }
0x35: {  	s10 =	sld [smem:$0x3FB6];
	_ =	sdelay $0x3  }
0x36: {  	p1 =	seq.s32 s10, $0x1;
	s10 =	sld [smem:$0x3FB7];
	_ =	sdelay $0x3  }
0x37: {  	[smem:$0x3FB7] =	sst s10  }
0x38: {  	s10 =	sld [smem:$0x3FB8]  }
0x39: {  	_ = 	snop;
	(pc) =	sbr.ind lr, $3  }
0x3a: {  	_ = 	snop  }
0x3b: {  	_ = 	snop  }
0x3c: {  	p2 =	seq.s32 s10, $0x1;
	s10 =	sld [smem:$0x3FB7]  }
0x3d: {  	_ =	shalt  }
0x3e: {  	_ =	shalt  }
0x3f: {  	_ =	shalt  }
0x40: {  	_ =	shalt  }
0x41: {  	_ =	shalt  }
0x42: {  	_ =	shalt  }
0x43: {  	_ =	shalt  }
0x44: {  	_ =	shalt  }
0x45: {  	_ =	shalt  }
0x46: {  	_ =	shalt  }
0x47: {  	_ =	shalt  }
0x48: {  	_ =	shalt  }
0x49: {  	_ =	shalt  }
0x4a: {  	_ =	shalt  }
0x4b: {  	_ =	shalt  }
0x4c: {  	_ =	shalt  }
0x4d: {  	_ =	shalt  }
0x4e: {  	_ =	shalt  }
0x4f: {  	_ =	shalt  }
0x50: {  	_ =	shalt  }
0x51: {  	_ =	shalt  }
0x52: {  	_ =	shalt  }
0x53: {  	_ =	shalt  }
0x54: {  	_ =	shalt  }
0x55: {  	_ =	shalt  }
0x56: {  	_ =	shalt  }
0x57: {  	_ =	shalt  }
0x58: {  	_ =	shalt  }
0x59: {  	_ =	shalt  }
0x5a: {  	_ =	shalt  }
0x5b: {  	_ =	shalt  }
0x5c: {  	_ =	shalt  }
0x5d: {  	_ =	shalt  }
0x5e: {  	_ =	shalt  }
0x5f: {  	_ =	shalt  }
0x60: {  	_ =	shalt  }
0x61: {  	_ =	shalt  }
0x62: {  	_ =	shalt  }
0x63: {  	_ =	shalt  }
0x64: {  	_ =	shalt  }
0x65: {  	_ =	shalt  }
0x66: {  	_ =	shalt  }
0x67: {  	_ =	shalt  }
0x68: {  	_ =	shalt  }
0x69: {  	_ =	shalt  }
0x6a: {  	_ =	shalt  }
0x6b: {  	_ =	shalt  }
0x6c: {  	_ =	shalt  }
0x6d: {  	_ =	shalt  }
0x6e: {  	_ =	shalt  }
0x6f: {  	_ =	shalt  }
0x70: {  	_ =	shalt  }
0x71: {  	_ =	shalt  }
0x72: {  	_ =	shalt  }
0x73: {  	_ =	shalt  }
0x74: {  	_ =	shalt  }
0x75: {  	_ =	shalt  }
0x76: {  	_ =	shalt  }
0x77: {  	_ =	shalt  }
0x78: {  	_ =	shalt  }
0x79: {  	_ =	shalt  }
0x7a: {  	_ =	shalt  }
0x7b: {  	_ =	shalt  }
0x7c: {  	_ =	shalt  }
0x7d: {  	_ =	shalt  }
0x7e: {  	_ =	shalt  }
0x7f: {  	_ =	shalt  }
0x80: {  	_ =	shalt  }
0x81: {  	_ =	shalt  }
0x82: {  	_ =	shalt  }
0x83: {  	_ =	shalt  }
0x84: {  	_ =	shalt  }
0x85: {  	_ =	shalt  }
0x86: {  	_ =	shalt  }
0x87: {  	_ =	shalt  }
.Lfunc_end0:
.L_simem_size_0:
called_computation_lowered:
.L_overlay_start_0:
0x88: {  	s2 =	sld [smem:$0x3FD9]  }
0x89: {  	s3 =	sld [smem:$0x3FFE];
	_ =	sdelay $0x1  }
0x8a: {  	s1 =	srdreg.scid  }
0x8b: {  	s0 =	sand.u32 $0x1, s1  }
0x8c: {  	s17 =	sshll.u32 s0, $0xA;
	s2 =	sadd.s32 s3, s2  }
0x8d: {  	s2 =	sadd.s32 s2, s17  }
0x8e: {  	[smem:$0x3FC3] =	sst s2  }
0x8f: {  	_ = 	snop  }
0x90: {  	s2 =	sld [smem:$0x3FC7]  }
0x91: {  	s18 =	sld [smem:$0x3FC6]  }
0x92: {  	s4 =	sld [smem:$0x3FC5]  }
0x93: {  	s5 =	sld [smem:$0x3FD0];
	(tm) =	ssettm $0x1  }
0x94: {  	s6 =	sld [smem:$0x3FFB];
	_ =	sdelay $0x3  }
0x95: {  	_ =	strace s6  }
0x96: {  	s6 =	sld [smem:$0x3FFC];
	_ =	sdelay $0x3  }
0x97: {  	_ =	strace s6  }
0x98: {  	s6 =	sld [smem:$0x3FFD];
	_ =	sdelay $0x3  }
0x99: {  	_ =	strace s6  }
0x9a: {  	_ =	strace $0x8FFFFFFF  }
0x9b: {  	s19 =	sld [smem:$0x3FDB];
	_ =	sdelay $0x1  }
0x9c: {  	s7 =	simm.s32 $_scs_section_size  }
0x9d: {  	s8 =	simm.s32 $_size__tile_overlayer_lowered;
	s9 =	simm.s32 $_tile_overlayer_lowered  }
0x9e: {  	s22 =	simm.s32 $0x1BFF;
	s21 =	sshll.u32 s9, $0x1;
	s6 =	sadd.s32 s7, s19  }
0x9f: {  	s10 =	simm.s32 $0x0;
	s20 =	sshll.u32 s8, $0x1;
	s8 =	sadd.s32 s21, s6  }
0xa0: {  	[timem:s10], [sflag:s22] =	dma.local [hbm:s8], s20  }
0xa1: {  	_ =	swait.ge [sflag:s22], s20  }
0xa2: {  	s7 =	ssub.s32 $0x0, s20;
	[sflag:s22] =	ssyncset.done $0x0  }
0xa3: {  	[sflag:s22] =	ssyncadd.s32 s7;
	_ =	sdelay $0x1  }
0xa4: {  	s23 =	simm.s32 $0x1B8B  }
0xa5: {  	_ =	swait.ge [sflag:s23], $0x1  }
0xa6: {  	[sflag:s23] =	ssyncset.done $0x0  }
0xa7: {  	s25 =	simm.s32 $0x1B8E;
	s24 =	sld [smem:$0x3FFE];
	[sflag:s23] =	ssyncadd.s32 $0xFFFFFFFF  }
0xa8: {  	s26 =	simm.s32 $execute0_lowered;
	[smem:$0x3FD2] =	sst s25  }
0xa9: {  	s8 =	sshll.u32 s26, $0x1;
	_ =	strace $0x80000046;
	[dreg:$0x1] =	wrdreg $0xFFFFFFFF  }
0xaa: {  	s28 =	simm.s32 $_size_execute0_lowered;
	s6 =	sadd.s32 s6, s8;
	[dreg:$0x0] =	wrdreg $0x0  }
0xab: {  	s8 =	sshll.u32 s28, $0x1;
	[dreg:$0x2] =	wrdreg s6  }
0xac: {  	[dreg:$0x3] =	wrdreg s8  }
0xad: {  	[dreg:$0x4] =	wrdreg $0xC0  }
0xae: {  	_ =	task [dreg:s10], $0x5FFFF  }
0xaf: {  	[dreg:$0x1] =	wrdreg $0xFFFFFFFF  }
0xb0: {  	[dreg:$0x0] =	wrdreg $0x60  }
0xb1: {  	[dreg:$0x2] =	wrdreg s24  }
0xb2: {  	[dreg:$0x3] =	wrdreg s2  }
0xb3: {  	[dreg:$0x4] =	wrdreg s18  }
0xb4: {  	[dreg:$0x5] =	wrdreg s4  }
0xb5: {  	[dreg:$0x6] =	wrdreg s5  }
0xb6: {  	[dreg:$0x7] =	wrdreg $0x9  }
0xb7: {  	_ =	task.clear_ibuf [dreg:s10], $0x8FFFF;
	_ =	strace $0x90000046  }
0xb8: {  	s29 =	simm.s32 $0x9;
	_ =	strace $0x80000048  }
0xb9: {  	_ =	swait.ge [sflag:s29], $0x1  }
0xba: {  	[sflag:s29] =	ssyncadd.s32 $0xFFFFFFFF  }
0xbb: {  	_ =	strace $0x90000048  }
0xbc: {  	_ =	sfence  }
0xbd: {  	s30 =	sld [smem:$0x0];
	_ =	sdelay $0x2  }
0xbe: {  	s31 =	sshll.u32 s1, $0xD;
	s1 =	sshrl.u32 s1, $0x2  }
0xbf: {  	s3 =	sand.u32 $0x4000, s31;
	s1 =	sadd.s32 s1, s30  }
0xc0: {  	s0 =	sor.u32 s3, s0;
	s1 =	sshll.u32 s1, $0x11  }
0xc1: {  	s0 =	sor.u32 s1, s0  }
0xc2: {  	s0 =	sadd.s32 $0x8F2B, s0  }
0xc3: {  	[sflag:s0] =	ssyncadd.remote.s32 $0x1  }
0xc4: {  	_ =	sfence.sel $0xFFFF  }
0xc5: {  	[dreg:$0x0] =	wrdreg $0xFFFFFFFF;
	(pc) =	sbr.abs _section_cstart, $3  }
0xc6: {  	[dreg:$0x1] =	wrdreg $0xFFFFFFFF  }
0xc7: {  	_ =	task.clear_ibuf [dreg:s10], $0x2FFFF;
	_ =	strace $0x9FFFFFFF  }
0xc8: {  	(tm) =	ssettm $0x7FFFFFFF  }
0xc9: {  	_ =	shalt  }
tec
execute0_lowered:
.L_overlay_start_1:
0x0: {  	(tag) =	ssettag $0x1  }
0x1: {  	s9 =	rddreg [dreg:$0x0]  }
0x2: {  	s1 =	rddreg [dreg:$0x1]  }
0x3: {  	s2 =	rddreg [dreg:$0x2]  }
0x4: {  	s0 =	srdreg.scid;
	s5 =	rddreg [dreg:$0x3]  }
0x5: {  	s3 =	rddreg [dreg:$0x4];
	s7 =	stileid.u32  }
0x6: {  	s6 =	simm.s32 $0x0;
	s14 =	simm.s32 $0x1;
	s15 =	simm.s32 $0x9C40  }
0x7: {  	s0 =	sand.u32 $0x1, s0;
	[smem:$0x7FF] =	sst s6;
	s8 =	sadd.s32 $0xB200, s9  }
0x8: {  	s10 =	sadd.s32 $0x1400, s9;
	s22 =	sadd.s32 $0x4E2, s9;
	s23 =	sadd.s32 $0x9C4, s9  }
0x9: {  	s4 =	sshll.u32 s0, $0x4;
	_ =	strace $0x80000047;
	[dreg:$0x6] =	wrdreg s8  }
0xa: {  	s24 =	sadd.s32 $0xEA6, s9;
	[dreg:$0x7] =	wrdreg s10;
	s4 =	sor.u32 s7, s4  }
0xb: {  	s0 =	ssub.s32 $0x2, s0;
	[dreg:$0x8] =	wrdreg s22;
	s7 =	smul.u32 $0x14000, s4  }
0xc: {  	[dreg:$0x9] =	wrdreg s23;
	s21 =	sshrl.u32 s0, $0x1;
	s4 =	smul.u32 $0x2710, s4  }
0xd: {  	s16 =	simm.s32 $0x13C40;
	[dreg:$0xb] =	wrdreg s24;
	s0 =	ssub.s32 s0, s21  }
0xe: {  	s0 =	smax.u32 s0, $0x1;
	s7 =	sshrl.u32 s7, $0x3;
	[dreg:$0xc] =	wrdreg s4  }
0xf: {  	s17 =	simm.s32 $0xC440;
	[dreg:$0x14] =	wrdreg s0;
	s3 =	sadd.s32 s3, s7  }
0x10: {  	s18 =	simm.s32 $0x16440;
	s25 =	sadd.s32 $0x1400, s3;
	[dreg:$0xa] =	wrdreg s3  }
0x11: {  	s19 =	simm.s32 $0xEC40;
	s26 =	sadd.s32 $0x500, s3;
	[dreg:$0xd] =	wrdreg s25  }
0x12: {  	s20 =	simm.s32 $0x18C40;
	s28 =	sadd.s32 $0x1900, s3;
	[dreg:$0xe] =	wrdreg s26  }
0x13: {  	s11 =	simm.s32 $0x1B440;
	s29 =	sadd.s32 $0xA00, s3;
	[dreg:$0xf] =	wrdreg s28  }
0x14: {  	s22 =	simm.s32 $0x2710;
	s30 =	sadd.s32 $0x1E00, s3;
	[dreg:$0x10] =	wrdreg s29  }
0x15: {  	s23 =	simm.s32 $0x4E20;
	s31 =	sadd.s32 $0xF00, s3;
	[dreg:$0x11] =	wrdreg s30  }
0x16: {  	s24 =	simm.s32 $0x7530;
	s3 =	sadd.s32 $0x2300, s3;
	[dreg:$0x12] =	wrdreg s31  }
0x17: {  	v0 =	vimm.f32 $0.0e+00;
	v1 =	vimm.f32 $1.000000000e+00;
	s21 =	simm.s32 $0x11440;
	s4 =	simm.s32 $0x0;
	[dreg:$0x13] =	wrdreg s3  }
.LBB2_1:
0x18: {  	[dreg:$0x15] =	wrdreg s4  }
0x19: {  	s0 =	rddreg [dreg:$0x0]  }
0x1a: {  	[tilespmem:s6], [sflag:$0x2] =	stream.linear.gather [hbm4b:s0+s6], $0x2710, $0x38;
	[tilespmem:$0x1F220] =	vst v63  }
0x1b: {  	s29 =	rddreg [dreg:$0x8]  }
0x1c: {  	[tilespmem:s22], [sflag:$0x2] =	stream.linear.gather [hbm4b:s29+s6], $0x2710, $0x38;
	[tilespmem:$0x1F220] =	vst v63  }
0x1d: {  	s30 =	rddreg [dreg:$0x9]  }
0x1e: {  	[tilespmem:s23], [sflag:$0x2] =	stream.linear.gather [hbm4b:s30+s6], $0x2710, $0x38;
	[tilespmem:$0x1F220] =	vst v63  }
0x1f: {  	s31 =	rddreg [dreg:$0xb];
	s3 =	simm.s32 $0x40;
	s0 =	simm.s32 $0x0  }
0x20: {  	[tilespmem:s24], [sflag:$0x2] =	stream.linear.gather [hbm4b:s31+s6], $0x2710, $0x38;
	[tilespmem:$0x1F220] =	vst v63  }
.LBB2_2:
0x21: {  	p0 =	sne.s32 s3, $0x9FC0;
	[tilespmem:s0+$0x1B440] =	vst v0  }
0x22: {  	[tilespmem:s0+$0x9C40] =	vst v0  }
0x23: {  	[tilespmem:s0+$0x13C40] =	vst v0  }
.Ltmp0:
0x24: {  	[tilespmem:s0+$0xC440] =	vst v0;
	(pc) =	sbr.rel @p0 .LBB2_2-.Ltmp0, $4  }
0x25: {  	[tilespmem:s0+$0x16440] =	vst v0  }
0x26: {  	[tilespmem:s0+$0xEC40] =	vst v0  }
0x27: {  	[tilespmem:s0+$0x18C40] =	vst v0  }
0x28: {  	[tilespmem:s0+$0x11440] =	vst v0;
	s0 =	sshra.s32 s3, $0x2;
	s3 =	sadd.s32 $0x40, s3  }
0x29: {  	[tilespmem:s0+$0x1B440] =	vst v0  }
0x2a: {  	[tilespmem:s0+$0x9C40] =	vst v0  }
0x2b: {  	[tilespmem:s0+$0x13C40] =	vst v0  }
0x2c: {  	[tilespmem:s0+$0xC440] =	vst v0  }
0x2d: {  	[tilespmem:s0+$0x16440] =	vst v0  }
0x2e: {  	[tilespmem:s0+$0xEC40] =	vst v0  }
0x2f: {  	[tilespmem:s0+$0x18C40] =	vst v0  }
0x30: {  	[tilespmem:s0+$0x11440] =	vst v0;
	s31 =	simm.s32 $0x2  }
0x31: {  	_ =	swait.ge [sflag:s31], $0x2710  }
0x32: {  	[sflag:s31] =	ssyncset.done $0x0  }
0x33: {  	[sflag:s31] =	ssyncadd.s32 $0xFFFFD8F0  }
0x34: {  	_ =	swait.ge [sflag:s31], $0x2710  }
0x35: {  	[sflag:s31] =	ssyncset.done $0x0  }
0x36: {  	[sflag:s31] =	ssyncadd.s32 $0xFFFFD8F0  }
0x37: {  	_ =	swait.ge [sflag:s31], $0x2710  }
0x38: {  	[sflag:s31] =	ssyncset.done $0x0  }
0x39: {  	[sflag:s31] =	ssyncadd.s32 $0xFFFFD8F0  }
0x3a: {  	_ =	swait.ge [sflag:s31], $0x2710  }
0x3b: {  	[sflag:s31] =	ssyncset.done $0x0  }
0x3c: {  	s25 =	simm.s32 $0x0;
	[sflag:s31] =	ssyncadd.s32 $0xFFFFD8F0  }
.LBB2_4:
0x3d: {  	s0 =	smul.u32 $0x190, s25  }
0x3e: {  	s3 =	rddreg [dreg:$0xc]  }
0x3f: {  	s0 =	sadd.s32 s3, s0  }
0x40: {  	s7 =	rddreg [dreg:$0x6];
	s3 =	sshrl.u32 s0, $0x3  }
0x41: {  	s4 =	simm.s32 $0x1DC40;
	s8 =	rddreg [dreg:$0x7];
	s0 =	sadd.s32 s7, s3  }
0x42: {  	[tilespmem:s4], [sflag:$0x1] =	stream.linear.gather [hbm4b:s0+s6], $0x190, $0x38;
	[tilespmem:$0x1F220] =	vst v63  }
0x43: {  	s9 =	simm.s32 $0x1DDD0;
	s0 =	sadd.s32 s8, s3  }
0x44: {  	[tilespmem:s9], [sflag:$0x1] =	stream.linear.gather [hbm4b:s0+s6], $0x190, $0x38;
	[tilespmem:$0x1F220] =	vst v63  }
0x45: {  	s12 =	simm.s32 $0x1DF60;
	s10 =	sadd.s32 s1, s3  }
0x46: {  	[tilespmem:s12], [sflag:$0x1] =	stream.linear.gather [hbm4b:s10+s6], $0x190, $0x38;
	[tilespmem:$0x1F220] =	vst v63  }
0x47: {  	s26 =	simm.s32 $0x1E5A0;
	s13 =	sadd.s32 s2, s3  }
0x48: {  	[tilespmem:s26], [sflag:$0x1] =	stream.linear.gather [hbm4b:s13+s6], $0x190, $0x38;
	[tilespmem:$0x1F220] =	vst v63  }
0x49: {  	s7 =	sadd.s32 s5, s3;
	s8 =	simm.s32 $0x1EBE0;
	s9 =	sadd.s32 $0x9C40, s3  }
0x4a: {  	[tilespmem:s8], [sflag:$0x1] =	stream.linear.gather [hbm4b:s7+s6], $0x190, $0x38;
	[tilespmem:$0x1F220] =	vst v63  }
0x4b: {  	s10 =	sadd.s32 s1, s9;
	s7 =	simm.s32 $0x1E0F0  }
0x4c: {  	[tilespmem:s7], [sflag:$0x1] =	stream.linear.gather [hbm4b:s10+s6], $0x190, $0x38;
	[tilespmem:$0x1F220] =	vst v63  }
0x4d: {  	s12 =	sadd.s32 s2, s9;
	s13 =	simm.s32 $0x1E730  }
0x4e: {  	[tilespmem:s13], [sflag:$0x1] =	stream.linear.gather [hbm4b:s12+s6], $0x190, $0x38;
	[tilespmem:$0x1F220] =	vst v63  }
0x4f: {  	s0 =	sadd.s32 s5, s9;
	s26 =	simm.s32 $0x1ED70;
	s7 =	sadd.s32 $0x13880, s3  }
0x50: {  	[tilespmem:s26], [sflag:$0x1] =	stream.linear.gather [hbm4b:s0+s6], $0x190, $0x38;
	[tilespmem:$0x1F220] =	vst v63  }
0x51: {  	s8 =	sadd.s32 s1, s7;
	s26 =	simm.s32 $0x1E280  }
0x52: {  	[tilespmem:s26], [sflag:$0x1] =	stream.linear.gather [hbm4b:s8+s6], $0x190, $0x38;
	[tilespmem:$0x1F220] =	vst v63  }
0x53: {  	s28 =	simm.s32 $0x1E8C0;
	s9 =	sadd.s32 s2, s7  }
0x54: {  	[tilespmem:s28], [sflag:$0x1] =	stream.linear.gather [hbm4b:s9+s6], $0x190, $0x38;
	[tilespmem:$0x1F220] =	vst v63  }
0x55: {  	s3 =	sadd.s32 $0x1D4C0, s3;
	s10 =	sadd.s32 s5, s7;
	s0 =	simm.s32 $0x1EF00  }
0x56: {  	[tilespmem:s0], [sflag:$0x1] =	stream.linear.gather [hbm4b:s10+s6], $0x190, $0x38;
	[tilespmem:$0x1F220] =	vst v63  }
0x57: {  	s12 =	sadd.s32 s1, s3;
	s13 =	simm.s32 $0x1E410  }
0x58: {  	[tilespmem:s13], [sflag:$0x1] =	stream.linear.gather [hbm4b:s12+s6], $0x190, $0x38;
	[tilespmem:$0x1F220] =	vst v63  }
0x59: {  	s8 =	sadd.s32 s2, s3;
	s9 =	simm.s32 $0x1EA50  }
0x5a: {  	[tilespmem:s9], [sflag:$0x1] =	stream.linear.gather [hbm4b:s8+s6], $0x190, $0x38;
	[tilespmem:$0x1F220] =	vst v63  }
0x5b: {  	s3 =	sadd.s32 s5, s3;
	s10 =	simm.s32 $0x1F090  }
0x5c: {  	[tilespmem:s10], [sflag:$0x1] =	stream.linear.gather [hbm4b:s3+s6], $0x190, $0x38;
	[tilespmem:$0x1F220] =	vst v63  }
0x5d: {  	_ =	swait.ge [sflag:s14], $0x190  }
0x5e: {  	[sflag:s14] =	ssyncset.done $0x0  }
0x5f: {  	[sflag:s14] =	ssyncadd.s32 $0xFFFFFE70  }
0x60: {  	_ =	swait.ge [sflag:s14], $0x190  }
0x61: {  	[sflag:s14] =	ssyncset.done $0x0  }
0x62: {  	[sflag:s14] =	ssyncadd.s32 $0xFFFFFE70  }
0x63: {  	_ =	swait.ge [sflag:s14], $0x190  }
0x64: {  	[sflag:s14] =	ssyncset.done $0x0  }
0x65: {  	[sflag:s14] =	ssyncadd.s32 $0xFFFFFE70  }
0x66: {  	_ =	swait.ge [sflag:s14], $0x190  }
0x67: {  	[sflag:s14] =	ssyncset.done $0x0  }
0x68: {  	[sflag:s14] =	ssyncadd.s32 $0xFFFFFE70  }
0x69: {  	_ =	swait.ge [sflag:s14], $0x190  }
0x6a: {  	[sflag:s14] =	ssyncset.done $0x0  }
0x6b: {  	[sflag:s14] =	ssyncadd.s32 $0xFFFFFE70  }
0x6c: {  	_ =	swait.ge [sflag:s14], $0x190  }
0x6d: {  	[sflag:s14] =	ssyncset.done $0x0  }
0x6e: {  	[sflag:s14] =	ssyncadd.s32 $0xFFFFFE70  }
0x6f: {  	_ =	swait.ge [sflag:s14], $0x190  }
0x70: {  	[sflag:s14] =	ssyncset.done $0x0  }
0x71: {  	[sflag:s14] =	ssyncadd.s32 $0xFFFFFE70  }
0x72: {  	_ =	swait.ge [sflag:s14], $0x190  }
0x73: {  	[sflag:s14] =	ssyncset.done $0x0  }
0x74: {  	[sflag:s14] =	ssyncadd.s32 $0xFFFFFE70  }
0x75: {  	_ =	swait.ge [sflag:s14], $0x190  }
0x76: {  	[sflag:s14] =	ssyncset.done $0x0  }
0x77: {  	[sflag:s14] =	ssyncadd.s32 $0xFFFFFE70  }
0x78: {  	_ =	swait.ge [sflag:s14], $0x190  }
0x79: {  	[sflag:s14] =	ssyncset.done $0x0  }
0x7a: {  	[sflag:s14] =	ssyncadd.s32 $0xFFFFFE70  }
0x7b: {  	_ =	swait.ge [sflag:s14], $0x190  }
0x7c: {  	[sflag:s14] =	ssyncset.done $0x0  }
0x7d: {  	[sflag:s14] =	ssyncadd.s32 $0xFFFFFE70  }
0x7e: {  	_ =	swait.ge [sflag:s14], $0x190  }
0x7f: {  	[sflag:s14] =	ssyncset.done $0x0  }
0x80: {  	[sflag:s14] =	ssyncadd.s32 $0xFFFFFE70  }
0x81: {  	_ =	swait.ge [sflag:s14], $0x190  }
0x82: {  	[sflag:s14] =	ssyncset.done $0x0  }
0x83: {  	[sflag:s14] =	ssyncadd.s32 $0xFFFFFE70  }
0x84: {  	_ =	swait.ge [sflag:s14], $0x190  }
0x85: {  	[sflag:s14] =	ssyncset.done $0x0  }
0x86: {  	s12 =	simm.s32 $0x1DC50;
	[sflag:s14] =	ssyncadd.s32 $0xFFFFFE70  }
0x87: {  	v12 =	vld [tilespmem:s12+$0x0];
	_ =	sdelay $0x7  }
0x88: {  	v3 =	vld.idx.msk [tilespmem:v12+s6+$0x0], $0xffff  }
0x89: {  	s13 =	simm.s32 $0x1DDE0  }
0x8a: {  	v9 =	vld [tilespmem:s13+$0x0]  }
0x8b: {  	v2 =	vld [tilespmem:s12+$0xFFFFFFF0];
	_ =	sdelay $0x1  }
0x8c: {  	v3 =	vadd.f32 $9.999999970e-07, v3;
	_ =	sdelay $0x1  }
0x8d: {  	(erf) = vrcp.f32 v3  }
0x8e: {  	v8 =	vld [tilespmem:s13+$0xFFFFFFF0]  }
0x8f: {  	v4 =	vld [tilespmem:s0+$0xFFFFFCF0]  }
0x90: {  	v3 =	vld.idx.msk [tilespmem:v9+s6+$0x0], $0xffff  }
0x91: {  	v5 =	vld.idx.msk [tilespmem:v2+s6+$0x0], $0xffff;
	_ =	sdelay $0x3  }
0x92: {  	v3 =	vmul.f32 v4, v3  }
0x93: {  	v4 =	vadd.f32 $9.999999970e-07, v5;
	v5 =	vpop (erf)  }
0x94: {  	v3 =	vmul.f32 v3, v5  }
0x95: {  	(erf) = vrcp.f32 v4;
	v4 =	vld.idx.msk [tilespmem:v8+s6+$0x0], $0xffff  }
0x96: {  	[tilespmem:v12+s15+$0x0] =	vst.idx.add.f32.msk $0xffff, v3  }
0x97: {  	v3 =	vld [tilespmem:s28+$0xFFFFFCF0]  }
0x98: {  	v5 =	vld [tilespmem:s0+$0xFFFFFCE0]  }
0x99: {  	v6 =	vld [tilespmem:s26+$0xFFFFFCF0];
	_ =	sdelay $0x2  }
0x9a: {  	v3 =	vadd.f32 $9.999999970e-07, v3  }
0x9b: {  	v4 =	vmul.f32 v5, v4  }
0x9c: {  	v5 =	vpop (erf);
	vm0 =	vgt.f32 v6, v3  }
0x9d: {  	v3 =	vmul.f32 v4, v5;
	_ =	sdelay $0x1  }
0x9e: {  	[tilespmem:v2+s15+$0x0] =	vst.idx.add.f32.msk $0xffff, v3  }
0x9f: {  	v3 =	vld [tilespmem:s28+$0xFFFFFCE0];
	_ =	sdelay $0x1  }
0xa0: {  	v4 =	vld [tilespmem:s26+$0xFFFFFCE0];
	[tilespmem:v12+s16+$0x0] =	vst.idx.msk vm0, v1  }
0xa1: {  	v5 =	vld.idx.msk [tilespmem:v12+s22+$0x0], $0xffff;
	_ =	sdelay $0x1  }
0xa2: {  	v3 =	vadd.f32 $9.999999970e-07, v3;
	_ =	sdelay $0x1  }
0xa3: {  	vm11 =	vgt.f32 v4, v3  }
0xa4: {  	v3 =	vadd.f32 $9.999999970e-07, v5;
	_ =	sdelay $0x1  }
0xa5: {  	s7 =	simm.s32 $0x1DC70;
	(erf) = vrcp.f32 v3  }
0xa6: {  	v13 =	vld [tilespmem:s7+$0x0]  }
0xa7: {  	v4 =	vld.idx.msk [tilespmem:v9+s22+$0x0], $0xffff  }
0xa8: {  	v5 =	vld [tilespmem:s0+$0xFFFFFE80];
	[tilespmem:v2+s16+$0x0] =	vst.idx.msk vm11, v1  }
0xa9: {  	v6 =	vld.idx.msk [tilespmem:v2+s22+$0x0], $0xffff;
	_ =	sdelay $0x1  }
0xaa: {  	v3 =	vld [tilespmem:s7+$0xFFFFFFF0]  }
0xab: {  	s8 =	simm.s32 $0x1DE00  }
0xac: {  	v15 =	vld [tilespmem:s8+$0x0];
	v4 =	vmul.f32 v5, v4  }
0xad: {  	v11 =	vld.idx.msk [tilespmem:v13+s6+$0x0], $0xffff;
	v5 =	vadd.f32 $9.999999970e-07, v6;
	v10 =	vpop (erf)  }
0xae: {  	v7 =	vld.idx.msk [tilespmem:v8+s22+$0x0], $0xffff;
	v4 =	vmul.f32 v4, v10  }
0xaf: {  	v6 =	vld [tilespmem:s0+$0xFFFFFE70];
	(erf) = vrcp.f32 v5  }
0xb0: {  	[tilespmem:v12+s17+$0x0] =	vst.idx.add.f32.msk $0xffff, v4  }
0xb1: {  	v4 =	vld [tilespmem:s28+$0xFFFFFE80]  }
0xb2: {  	v5 =	vld.idx.msk [tilespmem:v3+s6+$0x0], $0xffff;
	v10 =	vadd.f32 $9.999999970e-07, v11  }
0xb3: {  	v11 =	vld [tilespmem:s26+$0xFFFFFE80]  }
0xb4: {  	v14 =	vld [tilespmem:s8+$0xFFFFFFF0];
	(erf) = vrcp.f32 v10  }
0xb5: {  	s12 =	simm.s32 $0x1EF20  }
0xb6: {  	v16 =	vld [tilespmem:s12+$0xFFFFFCF0];
	v4 =	vadd.f32 $9.999999970e-07, v4  }
0xb7: {  	v6 =	vmul.f32 v6, v7;
	v7 =	vld.idx.msk [tilespmem:v15+s6+$0x0], $0xffff;
	v5 =	vadd.f32 $9.999999970e-07, v5  }
0xb8: {  	v10 =	vpop (erf);
	vm12 =	vgt.f32 v11, v4  }
0xb9: {  	(erf) = vrcp.f32 v5;
	v4 =	vmul.f32 v6, v10  }
0xba: {  	v5 =	vld [tilespmem:s12+$0xFFFFFCE0]  }
0xbb: {  	[tilespmem:v2+s17+$0x0] =	vst.idx.add.f32.msk $0xffff, v4  }
0xbc: {  	v6 =	vmul.f32 v16, v7;
	v4 =	vld.idx.msk [tilespmem:v14+s6+$0x0], $0xffff  }
0xbd: {  	v7 =	vpop (erf)  }
0xbe: {  	v6 =	vmul.f32 v6, v7;
	v10 =	vld [tilespmem:s28+$0xFFFFFE70];
	[tilespmem:v12+s18+$0x0] =	vst.idx.msk vm12, v1  }
0xbf: {  	v7 =	vld.idx.msk [tilespmem:v12+s23+$0x0], $0xffff  }
0xc0: {  	s29 =	simm.s32 $0x1E8E0;
	[tilespmem:v13+s15+$0x0] =	vst.idx.add.f32.msk $0xffff, v6  }
0xc1: {  	v4 =	vmul.f32 v5, v4;
	v5 =	vld [tilespmem:s29+$0xFFFFFCF0]  }
0xc2: {  	s30 =	simm.s32 $0x1E2A0;
	v6 =	vld [tilespmem:s26+$0xFFFFFE70];
	v11 =	vpop (erf)  }
0xc3: {  	v4 =	vmul.f32 v4, v11;
	v11 =	vld [tilespmem:s30+$0xFFFFFCF0]  }
0xc4: {  	v7 =	vadd.f32 $9.999999970e-07, v7  }
0xc5: {  	v10 =	vadd.f32 $9.999999970e-07, v10;
	[tilespmem:v3+s15+$0x0] =	vst.idx.add.f32.msk $0xffff, v4  }
0xc6: {  	v4 =	vld [tilespmem:s29+$0xFFFFFCE0];
	v5 =	vadd.f32 $9.999999970e-07, v5;
	(erf) = vrcp.f32 v7  }
0xc7: {  	vm13 =	vgt.f32 v6, v10;
	v6 =	vld.idx.msk [tilespmem:v9+s23+$0x0], $0xffff  }
0xc8: {  	vm1 =	vgt.f32 v11, v5;
	v7 =	vld [tilespmem:s30+$0xFFFFFCE0]  }
0xc9: {  	v5 =	vld [tilespmem:s0+$0x10];
	_ =	sdelay $0x1  }
0xca: {  	v4 =	vadd.f32 $9.999999970e-07, v4;
	_ =	sdelay $0x1  }
0xcb: {  	[tilespmem:v2+s18+$0x0] =	vst.idx.msk vm13, v1;
	vm14 =	vgt.f32 v7, v4  }
0xcc: {  	v5 =	vmul.f32 v5, v6;
	v6 =	vld.idx.msk [tilespmem:v2+s23+$0x0], $0xffff;
	[tilespmem:v13+s16+$0x0] =	vst.idx.msk vm1, v1  }
0xcd: {  	v7 =	vld.idx.msk [tilespmem:v13+s22+$0x0], $0xffff;
	v4 =	vpop (erf)  }
0xce: {  	v4 =	vmul.f32 v5, v4;
	_ =	sdelay $0x1  }
0xcf: {  	[tilespmem:v12+s19+$0x0] =	vst.idx.add.f32.msk $0xffff, v4  }
0xd0: {  	[tilespmem:v3+s16+$0x0] =	vst.idx.msk vm14, v1;
	v4 =	vadd.f32 $9.999999970e-07, v6;
	v10 =	vld [tilespmem:s28+$0x10]  }
0xd1: {  	v5 =	vadd.f32 $9.999999970e-07, v7;
	v7 =	vld.idx.msk [tilespmem:v3+s22+$0x0], $0xffff  }
0xd2: {  	v6 =	vld [tilespmem:s26+$0x10];
	(erf) = vrcp.f32 v4  }
0xd3: {  	s9 =	simm.s32 $0x1DC90;
	v11 =	vld.idx.msk [tilespmem:v15+s22+$0x0], $0xffff;
	(erf) = vrcp.f32 v5  }
0xd4: {  	v4 =	vld [tilespmem:s9+$0x0]  }
0xd5: {  	v5 =	vld [tilespmem:s9+$0xFFFFFFF0];
	v10 =	vadd.f32 $9.999999970e-07, v10  }
0xd6: {  	v16 =	vld [tilespmem:s12+$0xFFFFFE80]  }
0xd7: {  	v17 =	vld.idx.msk [tilespmem:v14+s22+$0x0], $0xffff;
	v7 =	vadd.f32 $9.999999970e-07, v7;
	vm15 =	vgt.f32 v6, v10  }
0xd8: {  	v18 =	vld [tilespmem:s12+$0xFFFFFE70]  }
0xd9: {  	(erf) = vrcp.f32 v7;
	v6 =	vld.idx.msk [tilespmem:v8+s23+$0x0], $0xffff  }
0xda: {  	s10 =	simm.s32 $0x1DE20;
	v10 =	vld [tilespmem:s0+$0x0]  }
0xdb: {  	v11 =	vmul.f32 v16, v11;
	v7 =	vld [tilespmem:s10+$0x0];
	v19 =	vpop (erf)  }
0xdc: {  	v20 =	vld.idx.msk [tilespmem:v4+s6+$0x0], $0xffff;
	v16 =	vpop (erf)  }
0xdd: {  	v21 =	vld.idx.msk [tilespmem:v5+s6+$0x0], $0xffff;
	v11 =	vmul.f32 v11, v16;
	[tilespmem:v12+s20+$0x0] =	vst.idx.msk vm15, v1  }
0xde: {  	v16 =	vld.idx.msk [tilespmem:v12+s24+$0x0], $0xffff  }
0xdf: {  	v10 =	vmul.f32 v10, v6;
	[tilespmem:v13+s17+$0x0] =	vst.idx.add.f32.msk $0xffff, v11  }
0xe0: {  	v11 =	vld [tilespmem:s29+$0xFFFFFE80]  }
0xe1: {  	v17 =	vmul.f32 v18, v17;
	v6 =	vld [tilespmem:s10+$0xFFFFFFF0];
	v10 =	vmul.f32 v10, v19;
	v18 =	vadd.f32 $9.999999970e-07, v20  }
0xe2: {  	v19 =	vpop (erf);
	v20 =	vld [tilespmem:s30+$0xFFFFFE80]  }
0xe3: {  	s3 =	simm.s32 $0x1EF40;
	v17 =	vmul.f32 v17, v19;
	[tilespmem:v2+s19+$0x0] =	vst.idx.add.f32.msk $0xffff, v10;
	(erf) = vrcp.f32 v18  }
0xe4: {  	v18 =	vld [tilespmem:s3+$0xFFFFFCF0]  }
0xe5: {  	[tilespmem:v3+s17+$0x0] =	vst.idx.add.f32.msk $0xffff, v17;
	v10 =	vadd.f32 $9.999999970e-07, v11;
	v11 =	vadd.f32 $9.999999970e-07, v16  }
0xe6: {  	v17 =	vadd.f32 $9.999999970e-07, v21;
	v16 =	vld.idx.msk [tilespmem:v7+s6+$0x0], $0xffff  }
0xe7: {  	v9 =	vld.idx.msk [tilespmem:v9+s24+$0x0], $0xffff;
	vm4 =	vgt.f32 v20, v10;
	(erf) = vrcp.f32 v11  }
0xe8: {  	v21 =	vld [tilespmem:s28+$0x0];
	(erf) = vrcp.f32 v17  }
0xe9: {  	v10 =	vld [tilespmem:s0+$0x1A0]  }
0xea: {  	v11 =	vld.idx.msk [tilespmem:v6+s6+$0x0], $0xffff  }
0xeb: {  	v17 =	vld [tilespmem:s3+$0xFFFFFCE0];
	v16 =	vmul.f32 v18, v16  }
0xec: {  	v18 =	vld [tilespmem:s29+$0xFFFFFE70];
	v19 =	vpop (erf)  }
0xed: {  	v20 =	vld [tilespmem:s30+$0xFFFFFE70];
	v16 =	vmul.f32 v16, v19;
	[tilespmem:v13+s18+$0x0] =	vst.idx.msk vm4, v1  }
0xee: {  	v19 =	vld.idx.msk [tilespmem:v13+s23+$0x0], $0xffff  }
0xef: {  	s31 =	simm.s32 $0x1E900;
	v9 =	vmul.f32 v10, v9;
	[tilespmem:v4+s15+$0x0] =	vst.idx.add.f32.msk $0xffff, v16  }
0xf0: {  	v11 =	vmul.f32 v17, v11;
	v16 =	vld [tilespmem:s31+$0xFFFFFCF0];
	v10 =	vpop (erf)  }
0xf1: {  	s4 =	simm.s32 $0x1E2C0;
	v17 =	vadd.f32 $9.999999970e-07, v18;
	v18 =	vld [tilespmem:s26+$0x0];
	v22 =	vpop (erf);
	v9 =	vmul.f32 v9, v10  }
0xf2: {  	v10 =	vmul.f32 v11, v22;
	v11 =	vld [tilespmem:s4+$0xFFFFFCF0]  }
0xf3: {  	vm5 =	vgt.f32 v20, v17;
	v17 =	vadd.f32 $9.999999970e-07, v19;
	[tilespmem:v12+s21+$0x0] =	vst.idx.add.f32.msk $0xffff, v9  }
0xf4: {  	v9 =	vadd.f32 $9.999999970e-07, v21;
	[tilespmem:v5+s15+$0x0] =	vst.idx.add.f32.msk $0xffff, v10  }
0xf5: {  	v16 =	vadd.f32 $9.999999970e-07, v16;
	(erf) = vrcp.f32 v17;
	v10 =	vld [tilespmem:s31+$0xFFFFFCE0]  }
0xf6: {  	vm6 =	vgt.f32 v18, v9;
	v9 =	vld.idx.msk [tilespmem:v15+s23+$0x0], $0xffff  }
0xf7: {  	vm2 =	vgt.f32 v11, v16;
	v11 =	vld [tilespmem:s12+$0x10]  }
0xf8: {  	v16 =	vld [tilespmem:s4+$0xFFFFFCE0];
	_ =	sdelay $0x1  }
0xf9: {  	[tilespmem:v3+s18+$0x0] =	vst.idx.msk vm5, v1  }
0xfa: {  	v17 =	vld.idx.msk [tilespmem:v3+s23+$0x0], $0xffff;
	v10 =	vadd.f32 $9.999999970e-07, v10  }
0xfb: {  	v20 =	vld.idx.msk [tilespmem:v14+s23+$0x0], $0xffff;
	[tilespmem:v2+s20+$0x0] =	vst.idx.msk vm6, v1  }
0xfc: {  	v9 =	vmul.f32 v11, v9;
	vm7 =	vgt.f32 v16, v10;
	v10 =	vld.idx.msk [tilespmem:v2+s24+$0x0], $0xffff  }
0xfd: {  	v21 =	vld.idx.msk [tilespmem:v8+s24+$0x0], $0xffff;
	[tilespmem:v4+s16+$0x0] =	vst.idx.msk vm2, v1;
	v11 =	vpop (erf)  }
0xfe: {  	v16 =	vld.idx.msk [tilespmem:v4+s22+$0x0], $0xffff;
	v9 =	vmul.f32 v9, v11  }
0xff: {  	v17 =	vadd.f32 $9.999999970e-07, v17;
	v11 =	vld [tilespmem:s12+$0x0]  }
0x100: {  	[tilespmem:v13+s19+$0x0] =	vst.idx.add.f32.msk $0xffff, v9  }
0x101: {  	(erf) = vrcp.f32 v17;
	v17 =	vld [tilespmem:s29+$0x10]  }
0x102: {  	v8 =	vadd.f32 $9.999999970e-07, v10;
	[tilespmem:v5+s16+$0x0] =	vst.idx.msk vm7, v1;
	v10 =	vld [tilespmem:s30+$0x10]  }
0x103: {  	s13 =	simm.s32 $0x1DCB0;
	v9 =	vadd.f32 $9.999999970e-07, v16;
	v16 =	vld.idx.msk [tilespmem:v5+s22+$0x0], $0xffff  }
0x104: {  	(erf) = vrcp.f32 v8;
	v8 =	vld [tilespmem:s13+$0x0]  }
0x105: {  	(erf) = vrcp.f32 v9  }
0x106: {  	v22 =	vld.idx.msk [tilespmem:v7+s22+$0x0], $0xffff;
	v17 =	vadd.f32 $9.999999970e-07, v17  }
0x107: {  	v11 =	vmul.f32 v11, v20;
	v20 =	vld [tilespmem:s3+$0xFFFFFE80]  }
0x108: {  	s7 =	simm.s32 $0x1EF60;
	v9 =	vld [tilespmem:s13+$0xFFFFFFF0];
	vm8 =	vgt.f32 v10, v17  }
0x109: {  	v54 =	vld [tilespmem:s7+$0xFFFFFCE0];
	v16 =	vadd.f32 $9.999999970e-07, v16  }
0x10a: {  	v23 =	vld.idx.msk [tilespmem:v6+s22+$0x0], $0xffff;
	v10 =	vpop (erf)  }
0x10b: {  	v24 =	vld [tilespmem:s3+$0xFFFFFE70];
	v10 =	vmul.f32 v11, v10;
	(erf) = vrcp.f32 v16  }
0x10c: {  	v11 =	vld.idx.msk [tilespmem:v8+s6+$0x0], $0xffff  }
0x10d: {  	s10 =	simm.s32 $0x1DE40;
	v20 =	vmul.f32 v20, v22;
	[tilespmem:v3+s19+$0x0] =	vst.idx.add.f32.msk $0xffff, v10;
	v16 =	vpop (erf)  }
0x10e: {  	v10 =	vld [tilespmem:s10+$0x0];
	v22 =	vpop (erf);
	[tilespmem:v13+s20+$0x0] =	vst.idx.msk vm8, v1  }
0x10f: {  	v20 =	vmul.f32 v20, v22;
	v22 =	vld.idx.msk [tilespmem:v13+s24+$0x0], $0xffff  }
0x110: {  	v25 =	vld.idx.msk [tilespmem:v9+s6+$0x0], $0xffff  }
0x111: {  	[tilespmem:v4+s17+$0x0] =	vst.idx.add.f32.msk $0xffff, v20  }
0x112: {  	v20 =	vld [tilespmem:s31+$0xFFFFFE80]  }
0x113: {  	v23 =	vmul.f32 v24, v23;
	v26 =	vadd.f32 $9.999999970e-07, v11;
	v11 =	vld [tilespmem:s10+$0xFFFFFFF0]  }
0x114: {  	v51 =	vld [tilespmem:s4+$0xFFFFFE80];
	v52 =	vpop (erf);
	v22 =	vadd.f32 $9.999999970e-07, v22  }
0x115: {  	v15 =	vld.idx.msk [tilespmem:v15+s24+$0x0], $0xffff;
	(erf) = vrcp.f32 v26;
	v23 =	vmul.f32 v23, v52  }
0x116: {  	v53 =	vld.idx.msk [tilespmem:v10+s6+$0x0], $0xffff;
	(erf) = vrcp.f32 v22  }
0x117: {  	[tilespmem:v5+s17+$0x0] =	vst.idx.add.f32.msk $0xffff, v23;
	v20 =	vadd.f32 $9.999999970e-07, v20  }
0x118: {  	v22 =	vld [tilespmem:s7+$0xFFFFFCF0]  }
0x119: {  	v23 =	vadd.f32 $9.999999970e-07, v25;
	vm9 =	vgt.f32 v51, v20;
	v20 =	vld [tilespmem:s12+$0x1A0]  }
0x11a: {  	v19 =	vld [tilespmem:s26+$0x1A0]  }
0x11b: {  	v18 =	vld [tilespmem:s28+$0x1A0];
	(erf) = vrcp.f32 v23  }
0x11c: {  	v17 =	vld [tilespmem:s0+$0x190]  }
0x11d: {  	v27 =	vld [tilespmem:s29+$0x0]  }
0x11e: {  	v23 =	vld.idx.msk [tilespmem:v11+s6+$0x0], $0xffff;
	v56 =	vpop (erf);
	v22 =	vmul.f32 v22, v53;
	v15 =	vmul.f32 v20, v15  }
0x11f: {  	v28 =	vld [tilespmem:s30+$0x0];
	v20 =	vpop (erf)  }
0x120: {  	v55 =	vld [tilespmem:s31+$0xFFFFFE70];
	v22 =	vmul.f32 v22, v56;
	v15 =	vmul.f32 v15, v20  }
0x121: {  	v57 =	vld [tilespmem:s4+$0xFFFFFE70];
	[tilespmem:v4+s18+$0x0] =	vst.idx.msk vm9, v1  }
0x122: {  	[tilespmem:v8+s15+$0x0] =	vst.idx.add.f32.msk $0xffff, v22  }
0x123: {  	v23 =	vmul.f32 v54, v23;
	v22 =	vld.idx.msk [tilespmem:v4+s23+$0x0], $0xffff  }
0x124: {  	s0 =	simm.s32 $0x1E920;
	[tilespmem:v13+s21+$0x0] =	vst.idx.add.f32.msk $0xffff, v15;
	v15 =	vpop (erf)  }
0x125: {  	s9 =	simm.s32 $0x1E2E0;
	v17 =	vmul.f32 v17, v21;
	v20 =	vld [tilespmem:s0+$0xFFFFFCF0];
	v15 =	vmul.f32 v23, v15  }
0x126: {  	v58 =	vadd.f32 $9.999999970e-07, v55;
	v23 =	vld [tilespmem:s9+$0xFFFFFCF0]  }
0x127: {  	v16 =	vmul.f32 v17, v16;
	v60 =	vadd.f32 $9.999999970e-07, v27;
	[tilespmem:v9+s15+$0x0] =	vst.idx.add.f32.msk $0xffff, v15  }
0x128: {  	vm10 =	vgt.f32 v57, v58;
	v22 =	vadd.f32 $9.999999970e-07, v22;
	v15 =	vld [tilespmem:s0+$0xFFFFFCE0]  }
0x129: {  	[tilespmem:v2+s21+$0x0] =	vst.idx.add.f32.msk $0xffff, v16;
	vm11 =	vgt.f32 v28, v60  }
0x12a: {  	v20 =	vadd.f32 $9.999999970e-07, v20;
	(erf) = vrcp.f32 v22;
	v22 =	vld [tilespmem:s9+$0xFFFFFCE0]  }
0x12b: {  	v59 =	vld [tilespmem:s29+$0x1A0]  }
0x12c: {  	vm12 =	vgt.f32 v23, v20;
	v20 =	vld.idx.msk [tilespmem:v7+s23+$0x0], $0xffff  }
0x12d: {  	v23 =	vld [tilespmem:s3+$0x10];
	v15 =	vadd.f32 $9.999999970e-07, v15  }
0x12e: {  	v61 =	vld [tilespmem:s30+$0x1A0];
	[tilespmem:v5+s18+$0x0] =	vst.idx.msk vm10, v1  }
0x12f: {  	[tilespmem:v3+s20+$0x0] =	vst.idx.msk vm11, v1;
	v62 =	vld.idx.msk [tilespmem:v5+s23+$0x0], $0xffff;
	vm13 =	vgt.f32 v22, v15;
	v15 =	vadd.f32 $9.999999970e-07, v18  }
0x130: {  	v14 =	vld.idx.msk [tilespmem:v14+s24+$0x0], $0xffff  }
0x131: {  	v16 =	vld [tilespmem:s12+$0x190]  }
0x132: {  	v18 =	vld.idx.msk [tilespmem:v3+s24+$0x0], $0xffff;
	v17 =	vmul.f32 v23, v20;
	v20 =	vadd.f32 $9.999999970e-07, v59  }
0x133: {  	v21 =	vld.idx.msk [tilespmem:v6+s23+$0x0], $0xffff;
	[tilespmem:v8+s16+$0x0] =	vst.idx.msk vm12, v1;
	vm14 =	vgt.f32 v19, v15;
	v15 =	vpop (erf)  }
0x134: {  	v22 =	vld.idx.msk [tilespmem:v8+s22+$0x0], $0xffff;
	vm15 =	vgt.f32 v61, v20;
	v20 =	vadd.f32 $9.999999970e-07, v62;
	v15 =	vmul.f32 v17, v15  }
0x135: {  	v63 =	vld [tilespmem:s3+$0x0]  }
0x136: {  	(erf) = vrcp.f32 v20;
	[tilespmem:v4+s19+$0x0] =	vst.idx.add.f32.msk $0xffff, v15  }
0x137: {  	v23 =	vadd.f32 $9.999999970e-07, v18;
	[tilespmem:v9+s16+$0x0] =	vst.idx.msk vm13, v1;
	v17 =	vld [tilespmem:s31+$0x10]  }
0x138: {  	v19 =	vld.idx.msk [tilespmem:v9+s22+$0x0], $0xffff  }
0x139: {  	v14 =	vmul.f32 v16, v14;
	v20 =	vadd.f32 $9.999999970e-07, v22;
	(erf) = vrcp.f32 v23;
	[tilespmem:v12+s11+$0x0] =	vst.idx.msk vm14, v1;
	v18 =	vld [tilespmem:s4+$0x10]  }
0x13a: {  	s8 =	simm.s32 $0x6;
	s13 =	simm.s32 $0x1DCD0;
	s12 =	simm.s32 $0x1EF60;
	v15 =	vmul.f32 v63, v21;
	v16 =	vld.idx.msk [tilespmem:v11+s22+$0x0], $0xffff;
	[tilespmem:v13+s11+$0x0] =	vst.idx.msk vm15, v1;
	v12 =	vmov v8  }
.LBB2_5:
0x13b: {  	v13 =	vld [tilespmem:s13+$0x0];
	(erf) = vrcp.f32 v20  }
0x13c: {  	s8 =	sadd.s32 $0x2, s8;
	v20 =	vld [tilespmem:s13+$0xFFFFFFF0];
	v17 =	vadd.f32 $9.999999970e-07, v17  }
0x13d: {  	p0 =	slt.u32 s8, $0x16;
	v21 =	vld.idx.msk [tilespmem:v10+s22+$0x0], $0xffff  }
0x13e: {  	v19 =	vadd.f32 $9.999999970e-07, v19;
	v22 =	vld [tilespmem:s7+$0xFFFFFE80];
	vm0 =	vgt.f32 v18, v17  }
0x13f: {  	v17 =	vld [tilespmem:s7+$0xFFFFFE70];
	v18 =	vpop (erf)  }
0x140: {  	(erf) = vrcp.f32 v19;
	v23 =	vmul.f32 v15, v18;
	v18 =	vld [tilespmem:s28+$0x190];
	s28 =	smov.u32 s29;
	s29 =	smov.u32 s31;
	s31 =	smov.u32 s0  }
0x141: {  	v19 =	vld [tilespmem:s26+$0x190];
	s26 =	smov.u32 s30;
	s30 =	smov.u32 s4;
	s4 =	smov.u32 s9  }
0x142: {  	[tilespmem:v5+s19+$0x0] =	vst.idx.add.f32.msk $0xffff, v23;
	v15 =	vpop (erf)  }
0x143: {  	s10 =	sadd.s32 $0x20, s10;
	v23 =	vld.idx.msk [tilespmem:v13+s6+$0x0], $0xffff;
	v21 =	vmul.f32 v22, v21;
	v14 =	vmul.f32 v14, v15  }
0x144: {  	v15 =	vld [tilespmem:s10+$0x0];
	v16 =	vmul.f32 v17, v16;
	v17 =	vpop (erf);
	[tilespmem:v4+s20+$0x0] =	vst.idx.msk vm0, v1  }
0x145: {  	v17 =	vmul.f32 v21, v17;
	v21 =	vld.idx.msk [tilespmem:v4+s24+$0x0], $0xffff;
	v18 =	vadd.f32 $9.999999970e-07, v18  }
0x146: {  	v22 =	vld.idx.msk [tilespmem:v20+s6+$0x0], $0xffff  }
0x147: {  	[tilespmem:v8+s17+$0x0] =	vst.idx.add.f32.msk $0xffff, v17;
	vm0 =	vgt.f32 v19, v18  }
0x148: {  	v17 =	vld [tilespmem:s0+$0xFFFFFE80]  }
0x149: {  	v19 =	vadd.f32 $9.999999970e-07, v23;
	v18 =	vld [tilespmem:s10+$0xFFFFFFF0];
	v23 =	vpop (erf)  }
0x14a: {  	v16 =	vmul.f32 v16, v23;
	v23 =	vld [tilespmem:s9+$0xFFFFFE80]  }
0x14b: {  	v21 =	vadd.f32 $9.999999970e-07, v21;
	(erf) = vrcp.f32 v19;
	v19 =	vld [tilespmem:s29+$0x0]  }
0x14c: {  	v22 =	vadd.f32 $9.999999970e-07, v22;
	[tilespmem:v9+s17+$0x0] =	vst.idx.add.f32.msk $0xffff, v16  }
0x14d: {  	s7 =	sadd.s32 $0x20, s7;
	v16 =	vld.idx.msk [tilespmem:v15+s6+$0x0], $0xffff;
	v17 =	vadd.f32 $9.999999970e-07, v17;
	(erf) = vrcp.f32 v21;
	[tilespmem:v2+s11+$0x0] =	vst.idx.msk vm0, v1;
	v2 =	vmovc v3;
	v3 =	vmov v5  }
0x14e: {  	v5 =	vmov v9;
	v9 =	vmov v20;
	v21 =	vld [tilespmem:s7+$0xFFFFFCF0];
	(erf) = vrcp.f32 v22  }
0x14f: {  	vm0 =	vgt.f32 v23, v17;
	v17 =	vld.idx.msk [tilespmem:v7+s24+$0x0], $0xffff;
	v7 =	vmov v10;
	v10 =	vmov v15  }
0x150: {  	v15 =	vadd.f32 $9.999999970e-07, v19;
	v19 =	vld [tilespmem:s3+$0x1A0]  }
0x151: {  	v20 =	vld.idx.msk [tilespmem:v18+s6+$0x0], $0xffff  }
0x152: {  	v22 =	vld [tilespmem:s7+$0xFFFFFCE0]  }
0x153: {  	v16 =	vmul.f32 v21, v16;
	v21 =	vld [tilespmem:s0+$0xFFFFFE70]  }
0x154: {  	v23 =	vpop (erf);
	v24 =	vld [tilespmem:s9+$0xFFFFFE70]  }
0x155: {  	v26 =	vmul.f32 v16, v23;
	[tilespmem:v8+s18+$0x0] =	vst.idx.msk vm0, v1;
	v23 =	vld [tilespmem:s30+$0x0];
	v17 =	vmul.f32 v19, v17  }
0x156: {  	v19 =	vld.idx.msk [tilespmem:v8+s23+$0x0], $0xffff;
	v25 =	vpop (erf)  }
0x157: {  	s0 =	sadd.s32 $0x20, s0;
	v20 =	vmul.f32 v22, v20;
	[tilespmem:v13+s15+$0x0] =	vst.idx.add.f32.msk $0xffff, v26;
	v16 =	vpop (erf);
	v17 =	vmul.f32 v17, v25  }
0x158: {  	v22 =	vld [tilespmem:s0+$0xFFFFFCF0];
	v21 =	vadd.f32 $9.999999970e-07, v21  }
0x159: {  	v16 =	vmul.f32 v20, v16;
	[tilespmem:v4+s21+$0x0] =	vst.idx.add.f32.msk $0xffff, v17  }
0x15a: {  	s9 =	sadd.s32 $0x20, s9;
	vm0 =	vgt.f32 v24, v21;
	vm1 =	vgt.f32 v23, v15;
	v15 =	vld [tilespmem:s29+$0x1A0]  }
0x15b: {  	v17 =	vld [tilespmem:s9+$0xFFFFFCF0]  }
0x15c: {  	v19 =	vadd.f32 $9.999999970e-07, v19;
	v20 =	vld [tilespmem:s30+$0x1A0]  }
0x15d: {  	[tilespmem:v9+s15+$0x0] =	vst.idx.add.f32.msk $0xffff, v16  }
0x15e: {  	v21 =	vadd.f32 $9.999999970e-07, v22;
	v16 =	vld [tilespmem:s0+$0xFFFFFCE0];
	(erf) = vrcp.f32 v19  }
0x15f: {  	v19 =	vld [tilespmem:s9+$0xFFFFFCE0];
	v15 =	vadd.f32 $9.999999970e-07, v15  }
0x160: {  	vm2 =	vgt.f32 v17, v21;
	[tilespmem:v5+s18+$0x0] =	vst.idx.msk vm0, v1;
	v17 =	vld.idx.msk [tilespmem:v7+s23+$0x0], $0xffff  }
0x161: {  	v21 =	vld [tilespmem:s12+$0x10];
	[tilespmem:v3+s20+$0x0] =	vst.idx.msk vm1, v1;
	vm0 =	vgt.f32 v20, v15  }
0x162: {  	v15 =	vld.idx.msk [tilespmem:v5+s23+$0x0], $0xffff  }
0x163: {  	v16 =	vadd.f32 $9.999999970e-07, v16;
	v20 =	vld.idx.msk [tilespmem:v11+s23+$0x0], $0xffff  }
0x164: {  	v22 =	vld [tilespmem:s12+$0x0]  }
0x165: {  	vm1 =	vgt.f32 v19, v16;
	v16 =	vld.idx.msk [tilespmem:v3+s24+$0x0], $0xffff  }
0x166: {  	[tilespmem:v13+s16+$0x0] =	vst.idx.msk vm2, v1;
	v17 =	vmul.f32 v21, v17;
	v21 =	vld.idx.msk [tilespmem:v6+s24+$0x0], $0xffff;
	v6 =	vmov v11;
	v11 =	vmov v18  }
0x167: {  	v18 =	vld.idx.msk [tilespmem:v13+s22+$0x0], $0xffff;
	v19 =	vpop (erf);
	[tilespmem:v4+s11+$0x0] =	vst.idx.msk vm0, v1;
	v4 =	vmov v8;
	v8 =	vmov v13  }
0x168: {  	v23 =	vadd.f32 $9.999999970e-07, v15;
	v17 =	vmul.f32 v17, v19;
	v24 =	vld [tilespmem:s3+$0x190];
	s3 =	smov.u32 s12;
	s12 =	smov.u32 s7  }
0x169: {  	v15 =	vmul.f32 v22, v20;
	[tilespmem:v2+s21+$0x0] =	vst.idx.add.f32.msk $0xffff, v14  }
.Ltmp1:
0x16a: {  	[tilespmem:v12+s19+$0x0] =	vst.idx.add.f32.msk $0xffff, v17;
	(erf) = vrcp.f32 v23;
	v12 =	vmov v13;
	(pc) =	sbr.rel @p0 .LBB2_5-.Ltmp1, $4  }
0x16b: {  	v13 =	vadd.f32 $9.999999970e-07, v16;
	[tilespmem:v9+s16+$0x0] =	vst.idx.msk vm1, v1;
	v17 =	vld [tilespmem:s31+$0x10]  }
0x16c: {  	v19 =	vld.idx.msk [tilespmem:v9+s22+$0x0], $0xffff  }
0x16d: {  	v20 =	vadd.f32 $9.999999970e-07, v18;
	v18 =	vld [tilespmem:s4+$0x10];
	v14 =	vmul.f32 v24, v21;
	(erf) = vrcp.f32 v13  }
0x16e: {  	s13 =	sadd.s32 $0x20, s13;
	v16 =	vld.idx.msk [tilespmem:v11+s22+$0x0], $0xffff  }
0x16f: {  	_ =	sdelay $0x1  }
0x170: {  	(erf) = vrcp.f32 v20  }
0x171: {  	v19 =	vadd.f32 $9.999999970e-07, v19  }
0x172: {  	v13 =	vld.idx.msk [tilespmem:v10+s22+$0x0], $0xffff  }
0x173: {  	v41 =	vld [tilespmem:s7+$0xFFFFFE80];
	(erf) = vrcp.f32 v19;
	_ =	sdelay $0x2  }
0x174: {  	v21 =	vld [tilespmem:s7+$0xFFFFFE70]  }
0x175: {  	v42 =	vpop (erf)  }
0x176: {  	v13 =	vmul.f32 v41, v13;
	v22 =	vpop (erf)  }
0x177: {  	v43 =	vpop (erf)  }
0x178: {  	v13 =	vmul.f32 v13, v43  }
0x179: {  	v44 =	vmul.f32 v21, v16  }
0x17a: {  	[tilespmem:v8+s17+$0x0] =	vst.idx.add.f32.msk $0xffff, v13;
	v46 =	vpop (erf)  }
0x17b: {  	v45 =	vld [tilespmem:s0+$0xFFFFFE80];
	v13 =	vmul.f32 v44, v46  }
0x17c: {  	v47 =	vld [tilespmem:s9+$0xFFFFFE80]  }
0x17d: {  	[tilespmem:v9+s17+$0x0] =	vst.idx.add.f32.msk $0xffff, v13  }
0x17e: {  	v49 =	vld [tilespmem:s0+$0xFFFFFE70]  }
0x17f: {  	v17 =	vadd.f32 $9.999999970e-07, v17  }
0x180: {  	v50 =	vld [tilespmem:s9+$0xFFFFFE70];
	v48 =	vadd.f32 $9.999999970e-07, v45  }
0x181: {  	vm0 =	vgt.f32 v18, v17  }
0x182: {  	vm1 =	vgt.f32 v47, v48  }
0x183: {  	v16 =	vadd.f32 $9.999999970e-07, v49;
	_ =	sdelay $0x1  }
0x184: {  	vm6 =	vgt.f32 v50, v16;
	_ =	sdelay $0x1  }
0x185: {  	[tilespmem:v4+s20+$0x0] =	vst.idx.msk vm0, v1  }
0x186: {  	v51 =	vld.idx.msk [tilespmem:v4+s24+$0x0], $0xffff;
	[tilespmem:v8+s18+$0x0] =	vst.idx.msk vm1, v1  }
0x187: {  	v52 =	vld.idx.msk [tilespmem:v8+s23+$0x0], $0xffff;
	_ =	sdelay $0x1  }
0x188: {  	[tilespmem:v9+s18+$0x0] =	vst.idx.msk vm6, v1  }
0x189: {  	v53 =	vld.idx.msk [tilespmem:v9+s23+$0x0], $0xffff  }
0x18a: {  	v13 =	vadd.f32 $9.999999970e-07, v51  }
0x18b: {  	v16 =	vadd.f32 $9.999999970e-07, v52  }
0x18c: {  	(erf) = vrcp.f32 v13  }
0x18d: {  	(erf) = vrcp.f32 v16  }
0x18e: {  	v17 =	vadd.f32 $9.999999970e-07, v53  }
0x18f: {  	v54 =	vld.idx.msk [tilespmem:v10+s23+$0x0], $0xffff  }
0x190: {  	v55 =	vld [tilespmem:s12+$0x10];
	(erf) = vrcp.f32 v17;
	_ =	sdelay $0x1  }
0x191: {  	v56 =	vld.idx.msk [tilespmem:v11+s23+$0x0], $0xffff  }
0x192: {  	v58 =	vld [tilespmem:s12+$0x0]  }
0x193: {  	v15 =	vmul.f32 v15, v42  }
0x194: {  	v57 =	vpop (erf);
	v13 =	vmul.f32 v55, v54  }
0x195: {  	[tilespmem:v5+s19+$0x0] =	vst.idx.add.f32.msk $0xffff, v15;
	v59 =	vpop (erf)  }
0x196: {  	v15 =	vld [tilespmem:s31+$0x0];
	v13 =	vmul.f32 v13, v59  }
0x197: {  	v61 =	vld [tilespmem:s4+$0x0];
	v60 =	vmul.f32 v58, v56  }
0x198: {  	[tilespmem:v12+s19+$0x0] =	vst.idx.add.f32.msk $0xffff, v13;
	v62 =	vpop (erf)  }
0x199: {  	v13 =	vld [tilespmem:s0+$0x10];
	v12 =	vmul.f32 v60, v62  }
0x19a: {  	v63 =	vld [tilespmem:s9+$0x10]  }
0x19b: {  	[tilespmem:v9+s19+$0x0] =	vst.idx.add.f32.msk $0xffff, v12  }
0x19c: {  	v15 =	vadd.f32 $9.999999970e-07, v15;
	v21 =	vld [tilespmem:s0+$0x0];
	_ =	sdelay $0x1  }
0x19d: {  	vm7 =	vgt.f32 v61, v15;
	v23 =	vld [tilespmem:s9+$0x0]  }
0x19e: {  	v20 =	vadd.f32 $9.999999970e-07, v13;
	_ =	sdelay $0x1  }
0x19f: {  	vm8 =	vgt.f32 v63, v20;
	v13 =	vadd.f32 $9.999999970e-07, v21;
	_ =	sdelay $0x1  }
0x1a0: {  	vm9 =	vgt.f32 v23, v13  }
0x1a1: {  	[tilespmem:v5+s20+$0x0] =	vst.idx.msk vm7, v1  }
0x1a2: {  	v25 =	vld.idx.msk [tilespmem:v5+s24+$0x0], $0xffff  }
0x1a3: {  	v27 =	vld [tilespmem:s28+$0x190]  }
0x1a4: {  	v29 =	vld [tilespmem:s26+$0x190];
	[tilespmem:v8+s20+$0x0] =	vst.idx.msk vm8, v1  }
0x1a5: {  	v26 =	vld.idx.msk [tilespmem:v8+s24+$0x0], $0xffff  }
0x1a6: {  	v7 =	vld.idx.msk [tilespmem:v7+s24+$0x0], $0xffff;
	[tilespmem:v9+s20+$0x0] =	vst.idx.msk vm9, v1  }
0x1a7: {  	v14 =	vmul.f32 v14, v22;
	v12 =	vadd.f32 $9.999999970e-07, v25;
	v28 =	vld.idx.msk [tilespmem:v9+s24+$0x0], $0xffff  }
0x1a8: {  	v24 =	vld [tilespmem:s3+$0x1A0]  }
0x1a9: {  	[tilespmem:v3+s21+$0x0] =	vst.idx.add.f32.msk $0xffff, v14;
	(erf) = vrcp.f32 v12  }
0x1aa: {  	v39 =	vld [tilespmem:s29+$0x190];
	v13 =	vadd.f32 $9.999999970e-07, v26  }
0x1ab: {  	v6 =	vld.idx.msk [tilespmem:v6+s24+$0x0], $0xffff  }
0x1ac: {  	v34 =	vld [tilespmem:s3+$0x190];
	(erf) = vrcp.f32 v13;
	v32 =	vadd.f32 $9.999999970e-07, v28  }
0x1ad: {  	v40 =	vld [tilespmem:s30+$0x190]  }
0x1ae: {  	v7 =	vmul.f32 v24, v7;
	v30 =	vld.idx.msk [tilespmem:v10+s24+$0x0], $0xffff;
	(erf) = vrcp.f32 v32  }
0x1af: {  	v31 =	vld [tilespmem:s12+$0x1A0]  }
0x1b0: {  	v7 =	vmul.f32 v7, v57;
	v35 =	vld.idx.msk [tilespmem:v11+s24+$0x0], $0xffff  }
0x1b1: {  	v6 =	vmul.f32 v34, v6;
	v37 =	vld [tilespmem:s12+$0x190]  }
0x1b2: {  	[tilespmem:v4+s21+$0x0] =	vst.idx.add.f32.msk $0xffff, v7;
	v36 =	vpop (erf)  }
0x1b3: {  	v7 =	vld [tilespmem:s31+$0x1A0];
	v6 =	vmul.f32 v6, v36  }
0x1b4: {  	v33 =	vld [tilespmem:s4+$0x1A0];
	v10 =	vmul.f32 v31, v30  }
0x1b5: {  	[tilespmem:v5+s21+$0x0] =	vst.idx.add.f32.msk $0xffff, v6;
	v38 =	vpop (erf)  }
0x1b6: {  	v44 =	vld [tilespmem:s31+$0x190];
	v11 =	vmul.f32 v37, v35;
	v10 =	vmul.f32 v10, v38  }
0x1b7: {  	v47 =	vld [tilespmem:s4+$0x190];
	v42 =	vpop (erf)  }
0x1b8: {  	[tilespmem:v8+s21+$0x0] =	vst.idx.add.f32.msk $0xffff, v10;
	v43 =	vmul.f32 v11, v42  }
0x1b9: {  	v10 =	vld [tilespmem:s0+$0x1A0]  }
0x1ba: {  	[tilespmem:v9+s21+$0x0] =	vst.idx.add.f32.msk $0xffff, v43  }
0x1bb: {  	v45 =	vadd.f32 $9.999999970e-07, v27;
	v46 =	vld [tilespmem:s0+$0x190]  }
0x1bc: {  	v48 =	vadd.f32 $9.999999970e-07, v39;
	v41 =	vld [tilespmem:s9+$0x1A0]  }
0x1bd: {  	vm10 =	vgt.f32 v29, v45;
	v7 =	vadd.f32 $9.999999970e-07, v7;
	v49 =	vld [tilespmem:s9+$0x190]  }
0x1be: {  	vm2 =	vgt.f32 v40, v48;
	v51 =	vadd.f32 $9.999999970e-07, v44  }
0x1bf: {  	vm11 =	vgt.f32 v33, v7;
	v50 =	vadd.f32 $9.999999970e-07, v10  }
0x1c0: {  	vm4 =	vgt.f32 v47, v51;
	v52 =	vadd.f32 $9.999999970e-07, v46  }
0x1c1: {  	vm3 =	vgt.f32 v41, v50  }
0x1c2: {  	vm5 =	vgt.f32 v49, v52  }
0x1c3: {  	[tilespmem:v2+s11+$0x0] =	vst.idx.msk vm10, v1  }
0x1c4: {  	[tilespmem:v3+s11+$0x0] =	vst.idx.msk vm2, v1  }
0x1c5: {  	[tilespmem:v4+s11+$0x0] =	vst.idx.msk vm11, v1  }
0x1c6: {  	[tilespmem:v5+s11+$0x0] =	vst.idx.msk vm4, v1  }
0x1c7: {  	[tilespmem:v8+s11+$0x0] =	vst.idx.msk vm3, v1  }
0x1c8: {  	[tilespmem:v9+s11+$0x0] =	vst.idx.msk vm5, v1  }
0x1c9: {  	v2 =	vld [tilespmem:$0x1DDC0];
	_ =	sdelay $0x7  }
0x1ca: {  	v3 =	vld.idx.msk [tilespmem:v2+s6+$0x0], $0xffff;
	_ =	sdelay $0x1  }
0x1cb: {  	v4 =	vld [tilespmem:$0x1DF50];
	_ =	sdelay $0x2  }
0x1cc: {  	v3 =	vadd.f32 $9.999999970e-07, v3;
	_ =	sdelay $0x1  }
0x1cd: {  	(erf) = vrcp.f32 v3;
	_ =	sdelay $0x1  }
0x1ce: {  	v5 =	vld [tilespmem:$0x1ED60]  }
0x1cf: {  	v3 =	vld.idx.msk [tilespmem:v4+s6+$0x0], $0xffff;
	_ =	sdelay $0x4  }
0x1d0: {  	v3 =	vmul.f32 v5, v3  }
0x1d1: {  	v53 =	vpop (erf)  }
0x1d2: {  	v3 =	vmul.f32 v3, v53;
	_ =	sdelay $0x1  }
0x1d3: {  	[tilespmem:v2+s15+$0x0] =	vst.idx.add.f32.msk $0xffff, v3  }
0x1d4: {  	v3 =	vld [tilespmem:$0x1E720];
	_ =	sdelay $0x1  }
0x1d5: {  	v54 =	vld [tilespmem:$0x1E0E0];
	_ =	sdelay $0x2  }
0x1d6: {  	v3 =	vadd.f32 $9.999999970e-07, v3;
	_ =	sdelay $0x1  }
0x1d7: {  	vm12 =	vgt.f32 v54, v3;
	_ =	sdelay $0x5  }
0x1d8: {  	[tilespmem:v2+s16+$0x0] =	vst.idx.msk vm12, v1  }
0x1d9: {  	v3 =	vld.idx.msk [tilespmem:v2+s22+$0x0], $0xffff;
	_ =	sdelay $0x4  }
0x1da: {  	v3 =	vadd.f32 $9.999999970e-07, v3;
	_ =	sdelay $0x1  }
0x1db: {  	(erf) = vrcp.f32 v3;
	_ =	sdelay $0x1  }
0x1dc: {  	v55 =	vld [tilespmem:$0x1EEF0]  }
0x1dd: {  	v3 =	vld.idx.msk [tilespmem:v4+s22+$0x0], $0xffff;
	_ =	sdelay $0x4  }
0x1de: {  	v3 =	vmul.f32 v55, v3  }
0x1df: {  	v56 =	vpop (erf)  }
0x1e0: {  	v3 =	vmul.f32 v3, v56;
	_ =	sdelay $0x1  }
0x1e1: {  	[tilespmem:v2+s17+$0x0] =	vst.idx.add.f32.msk $0xffff, v3  }
0x1e2: {  	v3 =	vld [tilespmem:$0x1E8B0];
	_ =	sdelay $0x1  }
0x1e3: {  	v57 =	vld [tilespmem:$0x1E270];
	_ =	sdelay $0x2  }
0x1e4: {  	v3 =	vadd.f32 $9.999999970e-07, v3;
	_ =	sdelay $0x1  }
0x1e5: {  	vm13 =	vgt.f32 v57, v3;
	_ =	sdelay $0x5  }
0x1e6: {  	[tilespmem:v2+s18+$0x0] =	vst.idx.msk vm13, v1  }
0x1e7: {  	v3 =	vld.idx.msk [tilespmem:v2+s23+$0x0], $0xffff;
	_ =	sdelay $0x4  }
0x1e8: {  	v3 =	vadd.f32 $9.999999970e-07, v3;
	_ =	sdelay $0x1  }
0x1e9: {  	(erf) = vrcp.f32 v3;
	_ =	sdelay $0x1  }
0x1ea: {  	v58 =	vld [tilespmem:$0x1F080]  }
0x1eb: {  	v3 =	vld.idx.msk [tilespmem:v4+s23+$0x0], $0xffff;
	_ =	sdelay $0x4  }
0x1ec: {  	v3 =	vmul.f32 v58, v3  }
0x1ed: {  	v59 =	vpop (erf)  }
0x1ee: {  	v3 =	vmul.f32 v3, v59;
	_ =	sdelay $0x1  }
0x1ef: {  	[tilespmem:v2+s19+$0x0] =	vst.idx.add.f32.msk $0xffff, v3  }
0x1f0: {  	v3 =	vld [tilespmem:$0x1EA40];
	_ =	sdelay $0x1  }
0x1f1: {  	v60 =	vld [tilespmem:$0x1E400];
	_ =	sdelay $0x2  }
0x1f2: {  	v3 =	vadd.f32 $9.999999970e-07, v3;
	_ =	sdelay $0x1  }
0x1f3: {  	vm14 =	vgt.f32 v60, v3;
	_ =	sdelay $0x5  }
0x1f4: {  	[tilespmem:v2+s20+$0x0] =	vst.idx.msk vm14, v1  }
0x1f5: {  	v3 =	vld.idx.msk [tilespmem:v2+s24+$0x0], $0xffff;
	_ =	sdelay $0x4  }
0x1f6: {  	v3 =	vadd.f32 $9.999999970e-07, v3;
	_ =	sdelay $0x1  }
0x1f7: {  	(erf) = vrcp.f32 v3;
	_ =	sdelay $0x1  }
0x1f8: {  	v61 =	vld [tilespmem:$0x1F210]  }
0x1f9: {  	v3 =	vld.idx.msk [tilespmem:v4+s24+$0x0], $0xffff;
	_ =	sdelay $0x4  }
0x1fa: {  	v3 =	vmul.f32 v61, v3  }
0x1fb: {  	v62 =	vpop (erf)  }
0x1fc: {  	v3 =	vmul.f32 v3, v62;
	_ =	sdelay $0x1  }
0x1fd: {  	[tilespmem:v2+s21+$0x0] =	vst.idx.add.f32.msk $0xffff, v3  }
0x1fe: {  	v3 =	vld [tilespmem:$0x1EBD0];
	_ =	sdelay $0x1  }
0x1ff: {  	v63 =	vld [tilespmem:$0x1E590];
	_ =	sdelay $0x2  }
0x200: {  	v3 =	vadd.f32 $9.999999970e-07, v3;
	_ =	sdelay $0x1  }
0x201: {  	s25 =	sadd.s32 $0x1, s25;
	vm15 =	vgt.f32 v63, v3  }
0x202: {  	p0 =	sne.s32 s25, $0x19  }
.Ltmp2:
0x203: {  	_ = 	snop;
	(pc) =	sbr.rel @p0 .LBB2_4-.Ltmp2, $2  }
0x204: {  	_ =	sdelay $0x2  }
0x205: {  	[tilespmem:v2+s11+$0x0] =	vst.idx.msk vm15, v1  }
0x206: {  	s0 =	rddreg [dreg:$0xa];
	s3 =	simm.s32 $0x3  }
0x207: {  	[hbm4b:s0+s6] =	stream.linear.scatter [tilespmem:s15], [sflag:$0x3], $0x2800, $0x38;
	[tilespmem:$0x1F220] =	vst v63  }
0x208: {  	_ =	swait.ge [sflag:s3], $0x2800  }
0x209: {  	[sflag:s3] =	ssyncset.done $0x0  }
0x20a: {  	s12 =	rddreg [dreg:$0xd];
	[sflag:s3] =	ssyncadd.s32 $0xFFFFD800  }
0x20b: {  	[hbm4b:s12+s6] =	stream.linear.scatter [tilespmem:s16], [sflag:$0x3], $0x2800, $0x38;
	[tilespmem:$0x1F220] =	vst v63  }
0x20c: {  	_ =	swait.ge [sflag:s3], $0x2800  }
0x20d: {  	[sflag:s3] =	ssyncset.done $0x0  }
0x20e: {  	s13 =	rddreg [dreg:$0xe];
	[sflag:s3] =	ssyncadd.s32 $0xFFFFD800  }
0x20f: {  	[hbm4b:s13+s6] =	stream.linear.scatter [tilespmem:s17], [sflag:$0x3], $0x2800, $0x38;
	[tilespmem:$0x1F220] =	vst v63  }
0x210: {  	_ =	swait.ge [sflag:s3], $0x2800  }
0x211: {  	[sflag:s3] =	ssyncset.done $0x0  }
0x212: {  	s25 =	rddreg [dreg:$0xf];
	[sflag:s3] =	ssyncadd.s32 $0xFFFFD800  }
0x213: {  	[hbm4b:s25+s6] =	stream.linear.scatter [tilespmem:s18], [sflag:$0x3], $0x2800, $0x38;
	[tilespmem:$0x1F220] =	vst v63  }
0x214: {  	_ =	swait.ge [sflag:s3], $0x2800  }
0x215: {  	[sflag:s3] =	ssyncset.done $0x0  }
0x216: {  	s26 =	rddreg [dreg:$0x10];
	[sflag:s3] =	ssyncadd.s32 $0xFFFFD800  }
0x217: {  	[hbm4b:s26+s6] =	stream.linear.scatter [tilespmem:s19], [sflag:$0x3], $0x2800, $0x38;
	[tilespmem:$0x1F220] =	vst v63  }
0x218: {  	_ =	swait.ge [sflag:s3], $0x2800  }
0x219: {  	[sflag:s3] =	ssyncset.done $0x0  }
0x21a: {  	s28 =	rddreg [dreg:$0x11];
	[sflag:s3] =	ssyncadd.s32 $0xFFFFD800  }
0x21b: {  	[hbm4b:s28+s6] =	stream.linear.scatter [tilespmem:s20], [sflag:$0x3], $0x2800, $0x38;
	[tilespmem:$0x1F220] =	vst v63  }
0x21c: {  	_ =	swait.ge [sflag:s3], $0x2800  }
0x21d: {  	[sflag:s3] =	ssyncset.done $0x0  }
0x21e: {  	s29 =	rddreg [dreg:$0x12];
	[sflag:s3] =	ssyncadd.s32 $0xFFFFD800  }
0x21f: {  	[hbm4b:s29+s6] =	stream.linear.scatter [tilespmem:s21], [sflag:$0x3], $0x2800, $0x38;
	[tilespmem:$0x1F220] =	vst v63  }
0x220: {  	_ =	swait.ge [sflag:s3], $0x2800  }
0x221: {  	[sflag:s3] =	ssyncset.done $0x0  }
0x222: {  	s30 =	rddreg [dreg:$0x13];
	[sflag:s3] =	ssyncadd.s32 $0xFFFFD800  }
0x223: {  	[hbm4b:s30+s6] =	stream.linear.scatter [tilespmem:s11], [sflag:$0x3], $0x2800, $0x38;
	[tilespmem:$0x1F220] =	vst v63  }
0x224: {  	_ =	swait.ge [sflag:s3], $0x2800  }
0x225: {  	s4 =	rddreg [dreg:$0x15]  }
0x226: {  	s31 =	rddreg [dreg:$0x14];
	s4 =	sadd.s32 $0x1, s4  }
0x227: {  	p0 =	sne.s32 s4, s31  }
.Ltmp3:
0x228: {  	_ = 	snop;
	(pc) =	sbr.rel @p0 .LBB2_1-.Ltmp3, $3  }
0x229: {  	_ =	sdelay $0x1  }
0x22a: {  	[sflag:s3] =	ssyncset.done $0x0  }
0x22b: {  	[sflag:s3] =	ssyncadd.s32 $0xFFFFD800  }
0x22c: {  	_ =	sfence.sel $0x180000  }
0x22d: {  	[bflag:$0x0] =	sbarrier.arrive $0xFFFF  }
0x22e: {  	_ =	strace $0x90000047  }
0x22f: {  	s0 =	stileid.u32;
	[bflag:$0x2] =	sbarrier.arrive $0xFFFF  }
0x230: {  	p0 =	sne.s32 s0, $0x0;
	s0 =	rddreg [dreg:$0x5]  }
0x231: {  	s0 =	sadd.s32 @!p0 $0x100000, s0  }
0x232: {  	[sflag:s0] =	ssyncadd.tile.s32 @!p0 $0x1;
	_ =	shalt  }
.Lfunc_end2:
_tile_overlayer_lowered:
.L_overlay_start_2:
0x233: {  	(tag) =	ssettag $0x2  }
0x234: {  	s0 =	rddreg [dreg:$0x0];
	s2 =	stileid.u32  }
0x235: {  	s1 =	rddreg [dreg:$0x1];
	p0 =	sne.s32 s2, $0x0  }
0x236: {  	s3 =	rddreg [dreg:$0x2];
	[bflag:$0x3] =	sbarrier.arrive $0xFFFF;
	s2 =	simm.s32 @!p0 $0x1C03  }
0x237: {  	[timem:s3], [sflag:s2] =	dma.local @!p0 [hbm:s0], s1  }
0x238: {  	s0 =	simm.s32 @!p0 $0x3  }
0x239: {  	_ =	swait.ge @!p0 [sflag:s0], s1  }
0x23a: {  	s1 =	ssub.s32 @!p0 $0x0, s1;
	[sflag:s0] =	ssyncset.done @!p0 $0x0  }
0x23b: {  	[sflag:s0] =	ssyncadd.s32 @!p0 s1  }
0x23c: {  	[bflag:$0x3] =	sbarrier.arrive $0xFFFF  }
0x23d: {  	_ =	shalt  }

</sc_bundles>
